<compile_context>
chip_gen: v7x
topology: tpu7x:2x2x1
jax: 0.10.2.dev20260603
libtpu: 0.0.44.dev20260713+nightly
codegen_flags: <defaults>
</compile_context>

<pallas_src>
import functools

import jax
import jax.numpy as jnp
from jax import lax
from jax.experimental import pallas as pl
from jax.experimental.pallas import tpu as pltpu
from jax.experimental.pallas import tpu_sc as plsc

_NC = 2
_NS = 16
_NW = _NC * _NS
_CHUNK = 256
_IW = 128


_RING = 4


@functools.lru_cache(maxsize=None)
def _make_lookup(n_tokens: int, vocab: int, d_model: int):
    assert n_tokens % (_NW * _IW * _RING) == 0
    per_w = n_tokens // _NW
    n_halves = per_w // _IW
    n_steps = n_halves // _RING
    tok_rows = per_w // _IW

    mesh = plsc.VectorSubcoreMesh(core_axis_name="c", subcore_axis_name="s")

    @functools.partial(
        pl.kernel,
        mesh=mesh,
        out_type=jax.ShapeDtypeStruct((n_tokens, d_model), jnp.float32),
        scratch_types=[
            pltpu.VMEM_SHARED((vocab, d_model), jnp.float32),
            pltpu.VMEM((tok_rows, _IW), jnp.int32),
            pltpu.VMEM((_RING, _IW, d_model), jnp.float32),
            pltpu.SemaphoreType.DMA,
        ] + [pltpu.SemaphoreType.DMA] * _RING,
        compiler_params=pltpu.CompilerParams(needs_layout_passes=False),
    )
    def lookup(tok_hbm, tab_hbm, out_hbm, tab_v, tok_v, rows_v, sem_g, *sem_o):
        wid = lax.axis_index("s") * _NC + lax.axis_index("c")
        row_base = wid * per_w
        @pl.when(lax.axis_index("s") == 0)
        def _():
            pltpu.sync_copy(tab_hbm, tab_v)

        pltpu.sync_copy(tok_hbm.at[pl.ds(wid * tok_rows, tok_rows)], tok_v)
        plsc.subcore_barrier()

        def gather_start(h, sl):
            return pltpu.make_async_copy(
                tab_v.at[tok_v.at[h]], rows_v.at[sl], sem_g)

        def out_copy(h, sl):
            return pltpu.make_async_copy(
                rows_v.at[sl],
                out_hbm.at[pl.ds(row_base + h * _IW, _IW)],
                sem_o[sl],
            )

        def run_step(h0, first):
            gathers = []
            for sl in range(_RING):
                if not first:
                    out_copy(h0 + sl - _RING, sl).wait()
                cp = gather_start(h0 + sl, sl)
                cp.start()
                gathers.append(cp)
            for sl in range(_RING):
                gathers[sl].wait()
                out_copy(h0 + sl, sl).start()

        run_step(0, True)
        lax.fori_loop(
            1, n_steps,
            lambda s, c: (run_step(s * _RING, False), c)[1], 0,
            unroll=False)
        for sl in range(_RING):
            out_copy(n_halves - _RING + sl, sl).wait()

    return lookup


def kernel(tokens, embed_weight):
    b, k, l = tokens.shape
    vocab, d_model = embed_weight.shape
    n = b * k * l
    tok_2d = tokens.reshape((n // _IW, _IW)).astype(jnp.int32)
    out = _make_lookup(n, vocab, d_model)(tok_2d, embed_weight)
    return out.reshape((b, k, l, d_model))

# --- scband reference (transcript-rebuilt; emitter-appended) ---
"""Pipeline reference for scband-msanet-76501957476454 (READ-ONLY COPY).

The authoritative reference and input builder live on the scoring server;
editing this copy changes nothing except your own understanding.
"""

import jax, jax.numpy as jnp
import numpy as np

B, K, L = 4, 128, 1024
D_MSA, D_MODEL = 32, 128

def setup_inputs(seed: int = 0) -> dict:
    key = jax.random.key(seed)
    k1, k2 = jax.random.split(key)
    tokens = jax.random.randint(k1, (B, K, L), 0, D_MSA, dtype=jnp.int64)
    # nn.Embedding default init: N(0, 1)
    embed_weight = jax.random.normal(k2, (D_MSA, D_MODEL), dtype=jnp.float32)
    return {"tokens": tokens, "embed_weight": embed_weight}

def reference(tokens, embed_weight):
    # MSANet.forward with is_pos_emb=False: pure embedding lookup
    # msa_fea = embed_tokens(tokens) -> [B, K, L, d_model]
    msa_fea = jnp.take(embed_weight, tokens, axis=0)
    return msa_fea

if __name__ == "__main__":
    import jax
    _d = setup_inputs()
    print(jax.jit(kernel)(*tuple(_d.values())))

</pallas_src>

<mosaic_0001>
#map = affine_map<(d0, d1) -> (0, 0)>
module attributes {stable_mosaic.version = 14 : i64} {
  func.func @lookup(%arg0: i32, %arg1: i32, %arg2: memref<4096x128xi32, #tpu.memory_space<hbm>>, %arg3: memref<32x128xf32, #tpu.memory_space<hbm>>, %arg4: memref<524288x128xf32, #tpu.memory_space<hbm>>, %arg5: memref<32x128xf32, #tpu.memory_space<vmem_shared>>, %arg6: memref<128x128xi32, #tpu.memory_space<vmem>>, %arg7: memref<4x128x128xf32, #tpu.memory_space<vmem>>, %arg8: memref<!tpu.dma_semaphore, #tpu.memory_space<semaphore_mem>>, %arg9: memref<!tpu.dma_semaphore, #tpu.memory_space<semaphore_mem>>, %arg10: memref<!tpu.dma_semaphore, #tpu.memory_space<semaphore_mem>>, %arg11: memref<!tpu.dma_semaphore, #tpu.memory_space<semaphore_mem>>, %arg12: memref<!tpu.dma_semaphore, #tpu.memory_space<semaphore_mem>>) attributes {dimension_semantics = [#tpu.dimension_semantics<core_parallel>, #tpu.dimension_semantics<subcore_parallel>], iteration_bounds = array<i64: 2, 16>, scalar_prefetch = 0 : i64, scratch_operands = 8 : i64, tpu.core_type = #tpu.core_type<sc_vector_subcore>, window_params = [{transform_indices = #map}, {transform_indices = #map}, {transform_indices = #map}]} {
    %mul3A = arith.constant 2 : i32
    %mul3A_0 = arith.muli %arg1, %mul3A : i32
    %add3A = arith.addi %mul3A_0, %arg0 : i32
    %mul3A_1 = arith.constant 16384 : i32
    %mul3A_2 = arith.muli %add3A, %mul3A_1 : i32
    %eq3A = arith.constant 0 : i32
    %eq3A_3 = arith.cmpi eq, %arg1, %eq3A : i32
    %convert_element_type3A = arith.extui %eq3A_3 : i1 to i32
    %cond3A = arith.constant 0 : i32
    %cond3A_4 = arith.cmpi ne, %convert_element_type3A, %cond3A : i32
    scf.if %cond3A_4 {
      "tpu.region"() ({
        %run_scoped3A = tpu.sem_alloc : memref<!tpu.dma_semaphore, #tpu.memory_space<semaphore_mem>>
        tpu.enqueue_dma source(%arg3 : memref<32x128xf32, #tpu.memory_space<hbm>>) target(%arg5 : memref<32x128xf32, #tpu.memory_space<vmem_shared>>) target_semaphore(%run_scoped3A : memref<!tpu.dma_semaphore, #tpu.memory_space<semaphore_mem>>)
        tpu.wait_dma2 semaphore(%run_scoped3A : memref<!tpu.dma_semaphore, #tpu.memory_space<semaphore_mem>>) src(%arg3 : memref<32x128xf32, #tpu.memory_space<hbm>>) dst(%arg5 : memref<32x128xf32, #tpu.memory_space<vmem_shared>>)
        tpu.yield
      }) : () -> ()
    } else {
    }
    %mul3A_5 = arith.constant 128 : i32
    %mul3A_6 = arith.muli %add3A, %mul3A_5 : i32
    "tpu.region"() ({
      %run_scoped3A = tpu.sem_alloc : memref<!tpu.dma_semaphore, #tpu.memory_space<semaphore_mem>>
      %dma_start3A_226 = arith.constant 0 : i32
      %dma_start3A_227 = tpu.memref_slice %arg2[%mul3A_6, %dma_start3A_226] : memref<4096x128xi32, #tpu.memory_space<hbm>> -> memref<128x128xi32, #tpu.memory_space<hbm>>
      %dma_start3A_228 = arith.constant 0 : i32
      %dma_start3A_229 = tpu.memref_slice %arg2[%mul3A_6, %dma_start3A_228] : memref<4096x128xi32, #tpu.memory_space<hbm>> -> memref<128x128xi32, #tpu.memory_space<hbm>>
      tpu.enqueue_dma source(%dma_start3A_229 : memref<128x128xi32, #tpu.memory_space<hbm>>) target(%arg6 : memref<128x128xi32, #tpu.memory_space<vmem>>) target_semaphore(%run_scoped3A : memref<!tpu.dma_semaphore, #tpu.memory_space<semaphore_mem>>)
      %dma_wait3A_230 = arith.constant 0 : i32
      %dma_wait3A_231 = tpu.memref_slice %arg2[%mul3A_6, %dma_wait3A_230] : memref<4096x128xi32, #tpu.memory_space<hbm>> -> memref<128x128xi32, #tpu.memory_space<hbm>>
      %dma_wait3A_232 = arith.constant 0 : i32
      %dma_wait3A_233 = tpu.memref_slice %arg2[%mul3A_6, %dma_wait3A_232] : memref<4096x128xi32, #tpu.memory_space<hbm>> -> memref<128x128xi32, #tpu.memory_space<hbm>>
      tpu.wait_dma2 semaphore(%run_scoped3A : memref<!tpu.dma_semaphore, #tpu.memory_space<semaphore_mem>>) src(%dma_wait3A_233 : memref<128x128xi32, #tpu.memory_space<hbm>>) dst(%arg6 : memref<128x128xi32, #tpu.memory_space<vmem>>)
      tpu.yield
    }) : () -> ()
    %barrier3A = arith.constant 0 : index
    tpu.barrier barrier_id(%barrier3A)
    %dma_start3A = arith.constant 0 : i32
    %dma_start3A_7 = arith.constant 0 : i32
    %dma_start3A_8 = arith.constant 0 : i32
    %dma_start3A_9 = arith.constant 0 : i32
    %dma_start3A_10 = tpu.memref_slice %arg7[%dma_start3A_7, %dma_start3A_8, %dma_start3A_9] : memref<4x128x128xf32, #tpu.memory_space<vmem>> -> memref<1x128x128xf32, #tpu.memory_space<vmem>>
    %dma_start3A_11 = tpu.memref_squeeze %dma_start3A_10 : memref<1x128x128xf32, #tpu.memory_space<vmem>> -> memref<128x128xf32, #tpu.memory_space<vmem>>
    %dma_start3A_12 = arith.constant 0 : i32
    %dma_start3A_13 = tpu.memref_slice %arg6[%dma_start3A, %dma_start3A_12] : memref<128x128xi32, #tpu.memory_space<vmem>> -> memref<1x128xi32, #tpu.memory_space<vmem>>
    %dma_start3A_14 = tpu.memref_squeeze %dma_start3A_13 : memref<1x128xi32, #tpu.memory_space<vmem>> -> memref<128xi32, #tpu.memory_space<vmem>>
    %dma_start3A_15 = arith.constant 0 : i32
    %dma_start3A_16 = arith.constant 0 : i32
    %dma_start3A_17 = tpu.memref_slice %arg5[%dma_start3A_15, %dma_start3A_16] : memref<32x128xf32, #tpu.memory_space<vmem_shared>> -> memref<32x128xf32, #tpu.memory_space<vmem_shared>>
    tpu.enqueue_indirect_dma source(%dma_start3A_17 : memref<32x128xf32, #tpu.memory_space<vmem_shared>>) target(%dma_start3A_11 : memref<128x128xf32, #tpu.memory_space<vmem>>) offsets(%dma_start3A_14 : memref<128xi32, #tpu.memory_space<vmem>>) semaphore(%arg8 : memref<!tpu.dma_semaphore, #tpu.memory_space<semaphore_mem>>)
    %dma_start3A_18 = arith.constant 1 : i32
    %dma_start3A_19 = arith.constant 1 : i32
    %dma_start3A_20 = arith.constant 0 : i32
    %dma_start3A_21 = arith.constant 0 : i32
    %dma_start3A_22 = tpu.memref_slice %arg7[%dma_start3A_19, %dma_start3A_20, %dma_start3A_21] : memref<4x128x128xf32, #tpu.memory_space<vmem>> -> memref<1x128x128xf32, #tpu.memory_space<vmem>>
    %dma_start3A_23 = tpu.memref_squeeze %dma_start3A_22 : memref<1x128x128xf32, #tpu.memory_space<vmem>> -> memref<128x128xf32, #tpu.memory_space<vmem>>
    %dma_start3A_24 = arith.constant 0 : i32
    %dma_start3A_25 = tpu.memref_slice %arg6[%dma_start3A_18, %dma_start3A_24] : memref<128x128xi32, #tpu.memory_space<vmem>> -> memref<1x128xi32, #tpu.memory_space<vmem>>
    %dma_start3A_26 = tpu.memref_squeeze %dma_start3A_25 : memref<1x128xi32, #tpu.memory_space<vmem>> -> memref<128xi32, #tpu.memory_space<vmem>>
    %dma_start3A_27 = arith.constant 0 : i32
    %dma_start3A_28 = arith.constant 0 : i32
    %dma_start3A_29 = tpu.memref_slice %arg5[%dma_start3A_27, %dma_start3A_28] : memref<32x128xf32, #tpu.memory_space<vmem_shared>> -> memref<32x128xf32, #tpu.memory_space<vmem_shared>>
    tpu.enqueue_indirect_dma source(%dma_start3A_29 : memref<32x128xf32, #tpu.memory_space<vmem_shared>>) target(%dma_start3A_23 : memref<128x128xf32, #tpu.memory_space<vmem>>) offsets(%dma_start3A_26 : memref<128xi32, #tpu.memory_space<vmem>>) semaphore(%arg8 : memref<!tpu.dma_semaphore, #tpu.memory_space<semaphore_mem>>)
    %dma_start3A_30 = arith.constant 2 : i32
    %dma_start3A_31 = arith.constant 2 : i32
    %dma_start3A_32 = arith.constant 0 : i32
    %dma_start3A_33 = arith.constant 0 : i32
    %dma_start3A_34 = tpu.memref_slice %arg7[%dma_start3A_31, %dma_start3A_32, %dma_start3A_33] : memref<4x128x128xf32, #tpu.memory_space<vmem>> -> memref<1x128x128xf32, #tpu.memory_space<vmem>>
    %dma_start3A_35 = tpu.memref_squeeze %dma_start3A_34 : memref<1x128x128xf32, #tpu.memory_space<vmem>> -> memref<128x128xf32, #tpu.memory_space<vmem>>
    %dma_start3A_36 = arith.constant 0 : i32
    %dma_start3A_37 = tpu.memref_slice %arg6[%dma_start3A_30, %dma_start3A_36] : memref<128x128xi32, #tpu.memory_space<vmem>> -> memref<1x128xi32, #tpu.memory_space<vmem>>
    %dma_start3A_38 = tpu.memref_squeeze %dma_start3A_37 : memref<1x128xi32, #tpu.memory_space<vmem>> -> memref<128xi32, #tpu.memory_space<vmem>>
    %dma_start3A_39 = arith.constant 0 : i32
    %dma_start3A_40 = arith.constant 0 : i32
    %dma_start3A_41 = tpu.memref_slice %arg5[%dma_start3A_39, %dma_start3A_40] : memref<32x128xf32, #tpu.memory_space<vmem_shared>> -> memref<32x128xf32, #tpu.memory_space<vmem_shared>>
    tpu.enqueue_indirect_dma source(%dma_start3A_41 : memref<32x128xf32, #tpu.memory_space<vmem_shared>>) target(%dma_start3A_35 : memref<128x128xf32, #tpu.memory_space<vmem>>) offsets(%dma_start3A_38 : memref<128xi32, #tpu.memory_space<vmem>>) semaphore(%arg8 : memref<!tpu.dma_semaphore, #tpu.memory_space<semaphore_mem>>)
    %dma_start3A_42 = arith.constant 3 : i32
    %dma_start3A_43 = arith.constant 3 : i32
    %dma_start3A_44 = arith.constant 0 : i32
    %dma_start3A_45 = arith.constant 0 : i32
    %dma_start3A_46 = tpu.memref_slice %arg7[%dma_start3A_43, %dma_start3A_44, %dma_start3A_45] : memref<4x128x128xf32, #tpu.memory_space<vmem>> -> memref<1x128x128xf32, #tpu.memory_space<vmem>>
    %dma_start3A_47 = tpu.memref_squeeze %dma_start3A_46 : memref<1x128x128xf32, #tpu.memory_space<vmem>> -> memref<128x128xf32, #tpu.memory_space<vmem>>
    %dma_start3A_48 = arith.constant 0 : i32
    %dma_start3A_49 = tpu.memref_slice %arg6[%dma_start3A_42, %dma_start3A_48] : memref<128x128xi32, #tpu.memory_space<vmem>> -> memref<1x128xi32, #tpu.memory_space<vmem>>
    %dma_start3A_50 = tpu.memref_squeeze %dma_start3A_49 : memref<1x128xi32, #tpu.memory_space<vmem>> -> memref<128xi32, #tpu.memory_space<vmem>>
    %dma_start3A_51 = arith.constant 0 : i32
    %dma_start3A_52 = arith.constant 0 : i32
    %dma_start3A_53 = tpu.memref_slice %arg5[%dma_start3A_51, %dma_start3A_52] : memref<32x128xf32, #tpu.memory_space<vmem_shared>> -> memref<32x128xf32, #tpu.memory_space<vmem_shared>>
    tpu.enqueue_indirect_dma source(%dma_start3A_53 : memref<32x128xf32, #tpu.memory_space<vmem_shared>>) target(%dma_start3A_47 : memref<128x128xf32, #tpu.memory_space<vmem>>) offsets(%dma_start3A_50 : memref<128xi32, #tpu.memory_space<vmem>>) semaphore(%arg8 : memref<!tpu.dma_semaphore, #tpu.memory_space<semaphore_mem>>)
    %dma_wait3A = arith.constant 0 : i32
    %dma_wait3A_54 = arith.constant 0 : i32
    %dma_wait3A_55 = arith.constant 0 : i32
    %dma_wait3A_56 = arith.constant 0 : i32
    %dma_wait3A_57 = tpu.memref_slice %arg7[%dma_wait3A_54, %dma_wait3A_55, %dma_wait3A_56] : memref<4x128x128xf32, #tpu.memory_space<vmem>> -> memref<1x128x128xf32, #tpu.memory_space<vmem>>
    %dma_wait3A_58 = tpu.memref_squeeze %dma_wait3A_57 : memref<1x128x128xf32, #tpu.memory_space<vmem>> -> memref<128x128xf32, #tpu.memory_space<vmem>>
    %dma_wait3A_59 = arith.constant 0 : i32
    %dma_wait3A_60 = tpu.memref_slice %arg6[%dma_wait3A, %dma_wait3A_59] : memref<128x128xi32, #tpu.memory_space<vmem>> -> memref<1x128xi32, #tpu.memory_space<vmem>>
    %dma_wait3A_61 = tpu.memref_squeeze %dma_wait3A_60 : memref<1x128xi32, #tpu.memory_space<vmem>> -> memref<128xi32, #tpu.memory_space<vmem>>
    %dma_wait3A_62 = arith.constant 0 : i32
    %dma_wait3A_63 = arith.constant 0 : i32
    %dma_wait3A_64 = tpu.memref_slice %arg5[%dma_wait3A_62, %dma_wait3A_63] : memref<32x128xf32, #tpu.memory_space<vmem_shared>> -> memref<32x128xf32, #tpu.memory_space<vmem_shared>>
    tpu.wait_indirect_dma semaphore(%arg8 : memref<!tpu.dma_semaphore, #tpu.memory_space<semaphore_mem>>) src(%dma_wait3A_64 : memref<32x128xf32, #tpu.memory_space<vmem_shared>>) dst(%dma_wait3A_58 : memref<128x128xf32, #tpu.memory_space<vmem>>)
    %add3A_65 = arith.constant 0 : i32
    %add3A_66 = arith.addi %mul3A_2, %add3A_65 : i32
    %dma_start3A_67 = arith.constant 0 : i32
    %dma_start3A_68 = arith.constant 0 : i32
    %dma_start3A_69 = arith.constant 0 : i32
    %dma_start3A_70 = tpu.memref_slice %arg7[%dma_start3A_67, %dma_start3A_68, %dma_start3A_69] : memref<4x128x128xf32, #tpu.memory_space<vmem>> -> memref<1x128x128xf32, #tpu.memory_space<vmem>>
    %dma_start3A_71 = tpu.memref_squeeze %dma_start3A_70 : memref<1x128x128xf32, #tpu.memory_space<vmem>> -> memref<128x128xf32, #tpu.memory_space<vmem>>
    %dma_start3A_72 = arith.constant 0 : i32
    %dma_start3A_73 = tpu.memref_slice %arg4[%add3A_66, %dma_start3A_72] : memref<524288x128xf32, #tpu.memory_space<hbm>> -> memref<128x128xf32, #tpu.memory_space<hbm>>
    %dma_start3A_74 = arith.constant 0 : i32
    %dma_start3A_75 = tpu.memref_slice %arg4[%add3A_66, %dma_start3A_74] : memref<524288x128xf32, #tpu.memory_space<hbm>> -> memref<128x128xf32, #tpu.memory_space<hbm>>
    %dma_start3A_76 = arith.constant 0 : i32
    %dma_start3A_77 = arith.constant 0 : i32
    %dma_start3A_78 = tpu.memref_slice %arg7[%dma_start3A_67, %dma_start3A_76, %dma_start3A_77] : memref<4x128x128xf32, #tpu.memory_space<vmem>> -> memref<1x128x128xf32, #tpu.memory_space<vmem>>
    %dma_start3A_79 = tpu.memref_squeeze %dma_start3A_78 : memref<1x128x128xf32, #tpu.memory_space<vmem>> -> memref<128x128xf32, #tpu.memory_space<vmem>>
    tpu.enqueue_dma source(%dma_start3A_79 : memref<128x128xf32, #tpu.memory_space<vmem>>) target(%dma_start3A_75 : memref<128x128xf32, #tpu.memory_space<hbm>>) target_semaphore(%arg9 : memref<!tpu.dma_semaphore, #tpu.memory_space<semaphore_mem>>)
    %dma_wait3A_80 = arith.constant 1 : i32
    %dma_wait3A_81 = arith.constant 1 : i32
    %dma_wait3A_82 = arith.constant 0 : i32
    %dma_wait3A_83 = arith.constant 0 : i32
    %dma_wait3A_84 = tpu.memref_slice %arg7[%dma_wait3A_81, %dma_wait3A_82, %dma_wait3A_83] : memref<4x128x128xf32, #tpu.memory_space<vmem>> -> memref<1x128x128xf32, #tpu.memory_space<vmem>>
    %dma_wait3A_85 = tpu.memref_squeeze %dma_wait3A_84 : memref<1x128x128xf32, #tpu.memory_space<vmem>> -> memref<128x128xf32, #tpu.memory_space<vmem>>
    %dma_wait3A_86 = arith.constant 0 : i32
    %dma_wait3A_87 = tpu.memref_slice %arg6[%dma_wait3A_80, %dma_wait3A_86] : memref<128x128xi32, #tpu.memory_space<vmem>> -> memref<1x128xi32, #tpu.memory_space<vmem>>
    %dma_wait3A_88 = tpu.memref_squeeze %dma_wait3A_87 : memref<1x128xi32, #tpu.memory_space<vmem>> -> memref<128xi32, #tpu.memory_space<vmem>>
    %dma_wait3A_89 = arith.constant 0 : i32
    %dma_wait3A_90 = arith.constant 0 : i32
    %dma_wait3A_91 = tpu.memref_slice %arg5[%dma_wait3A_89, %dma_wait3A_90] : memref<32x128xf32, #tpu.memory_space<vmem_shared>> -> memref<32x128xf32, #tpu.memory_space<vmem_shared>>
    tpu.wait_indirect_dma semaphore(%arg8 : memref<!tpu.dma_semaphore, #tpu.memory_space<semaphore_mem>>) src(%dma_wait3A_91 : memref<32x128xf32, #tpu.memory_space<vmem_shared>>) dst(%dma_wait3A_85 : memref<128x128xf32, #tpu.memory_space<vmem>>)
    %add3A_92 = arith.constant 128 : i32
    %add3A_93 = arith.addi %mul3A_2, %add3A_92 : i32
    %dma_start3A_94 = arith.constant 1 : i32
    %dma_start3A_95 = arith.constant 0 : i32
    %dma_start3A_96 = arith.constant 0 : i32
    %dma_start3A_97 = tpu.memref_slice %arg7[%dma_start3A_94, %dma_start3A_95, %dma_start3A_96] : memref<4x128x128xf32, #tpu.memory_space<vmem>> -> memref<1x128x128xf32, #tpu.memory_space<vmem>>
    %dma_start3A_98 = tpu.memref_squeeze %dma_start3A_97 : memref<1x128x128xf32, #tpu.memory_space<vmem>> -> memref<128x128xf32, #tpu.memory_space<vmem>>
    %dma_start3A_99 = arith.constant 0 : i32
    %dma_start3A_100 = tpu.memref_slice %arg4[%add3A_93, %dma_start3A_99] : memref<524288x128xf32, #tpu.memory_space<hbm>> -> memref<128x128xf32, #tpu.memory_space<hbm>>
    %dma_start3A_101 = arith.constant 0 : i32
    %dma_start3A_102 = tpu.memref_slice %arg4[%add3A_93, %dma_start3A_101] : memref<524288x128xf32, #tpu.memory_space<hbm>> -> memref<128x128xf32, #tpu.memory_space<hbm>>
    %dma_start3A_103 = arith.constant 0 : i32
    %dma_start3A_104 = arith.constant 0 : i32
    %dma_start3A_105 = tpu.memref_slice %arg7[%dma_start3A_94, %dma_start3A_103, %dma_start3A_104] : memref<4x128x128xf32, #tpu.memory_space<vmem>> -> memref<1x128x128xf32, #tpu.memory_space<vmem>>
    %dma_start3A_106 = tpu.memref_squeeze %dma_start3A_105 : memref<1x128x128xf32, #tpu.memory_space<vmem>> -> memref<128x128xf32, #tpu.memory_space<vmem>>
    tpu.enqueue_dma source(%dma_start3A_106 : memref<128x128xf32, #tpu.memory_space<vmem>>) target(%dma_start3A_102 : memref<128x128xf32, #tpu.memory_space<hbm>>) target_semaphore(%arg10 : memref<!tpu.dma_semaphore, #tpu.memory_space<semaphore_mem>>)
    %dma_wait3A_107 = arith.constant 2 : i32
    %dma_wait3A_108 = arith.constant 2 : i32
    %dma_wait3A_109 = arith.constant 0 : i32
    %dma_wait3A_110 = arith.constant 0 : i32
    %dma_wait3A_111 = tpu.memref_slice %arg7[%dma_wait3A_108, %dma_wait3A_109, %dma_wait3A_110] : memref<4x128x128xf32, #tpu.memory_space<vmem>> -> memref<1x128x128xf32, #tpu.memory_space<vmem>>
    %dma_wait3A_112 = tpu.memref_squeeze %dma_wait3A_111 : memref<1x128x128xf32, #tpu.memory_space<vmem>> -> memref<128x128xf32, #tpu.memory_space<vmem>>
    %dma_wait3A_113 = arith.constant 0 : i32
    %dma_wait3A_114 = tpu.memref_slice %arg6[%dma_wait3A_107, %dma_wait3A_113] : memref<128x128xi32, #tpu.memory_space<vmem>> -> memref<1x128xi32, #tpu.memory_space<vmem>>
    %dma_wait3A_115 = tpu.memref_squeeze %dma_wait3A_114 : memref<1x128xi32, #tpu.memory_space<vmem>> -> memref<128xi32, #tpu.memory_space<vmem>>
    %dma_wait3A_116 = arith.constant 0 : i32
    %dma_wait3A_117 = arith.constant 0 : i32
    %dma_wait3A_118 = tpu.memref_slice %arg5[%dma_wait3A_116, %dma_wait3A_117] : memref<32x128xf32, #tpu.memory_space<vmem_shared>> -> memref<32x128xf32, #tpu.memory_space<vmem_shared>>
    tpu.wait_indirect_dma semaphore(%arg8 : memref<!tpu.dma_semaphore, #tpu.memory_space<semaphore_mem>>) src(%dma_wait3A_118 : memref<32x128xf32, #tpu.memory_space<vmem_shared>>) dst(%dma_wait3A_112 : memref<128x128xf32, #tpu.memory_space<vmem>>)
    %add3A_119 = arith.constant 256 : i32
    %add3A_120 = arith.addi %mul3A_2, %add3A_119 : i32
    %dma_start3A_121 = arith.constant 2 : i32
    %dma_start3A_122 = arith.constant 0 : i32
    %dma_start3A_123 = arith.constant 0 : i32
    %dma_start3A_124 = tpu.memref_slice %arg7[%dma_start3A_121, %dma_start3A_122, %dma_start3A_123] : memref<4x128x128xf32, #tpu.memory_space<vmem>> -> memref<1x128x128xf32, #tpu.memory_space<vmem>>
    %dma_start3A_125 = tpu.memref_squeeze %dma_start3A_124 : memref<1x128x128xf32, #tpu.memory_space<vmem>> -> memref<128x128xf32, #tpu.memory_space<vmem>>
    %dma_start3A_126 = arith.constant 0 : i32
    %dma_start3A_127 = tpu.memref_slice %arg4[%add3A_120, %dma_start3A_126] : memref<524288x128xf32, #tpu.memory_space<hbm>> -> memref<128x128xf32, #tpu.memory_space<hbm>>
    %dma_start3A_128 = arith.constant 0 : i32
    %dma_start3A_129 = tpu.memref_slice %arg4[%add3A_120, %dma_start3A_128] : memref<524288x128xf32, #tpu.memory_space<hbm>> -> memref<128x128xf32, #tpu.memory_space<hbm>>
    %dma_start3A_130 = arith.constant 0 : i32
    %dma_start3A_131 = arith.constant 0 : i32
    %dma_start3A_132 = tpu.memref_slice %arg7[%dma_start3A_121, %dma_start3A_130, %dma_start3A_131] : memref<4x128x128xf32, #tpu.memory_space<vmem>> -> memref<1x128x128xf32, #tpu.memory_space<vmem>>
    %dma_start3A_133 = tpu.memref_squeeze %dma_start3A_132 : memref<1x128x128xf32, #tpu.memory_space<vmem>> -> memref<128x128xf32, #tpu.memory_space<vmem>>
    tpu.enqueue_dma source(%dma_start3A_133 : memref<128x128xf32, #tpu.memory_space<vmem>>) target(%dma_start3A_129 : memref<128x128xf32, #tpu.memory_space<hbm>>) target_semaphore(%arg11 : memref<!tpu.dma_semaphore, #tpu.memory_space<semaphore_mem>>)
    %dma_wait3A_134 = arith.constant 3 : i32
    %dma_wait3A_135 = arith.constant 3 : i32
    %dma_wait3A_136 = arith.constant 0 : i32
    %dma_wait3A_137 = arith.constant 0 : i32
    %dma_wait3A_138 = tpu.memref_slice %arg7[%dma_wait3A_135, %dma_wait3A_136, %dma_wait3A_137] : memref<4x128x128xf32, #tpu.memory_space<vmem>> -> memref<1x128x128xf32, #tpu.memory_space<vmem>>
    %dma_wait3A_139 = tpu.memref_squeeze %dma_wait3A_138 : memref<1x128x128xf32, #tpu.memory_space<vmem>> -> memref<128x128xf32, #tpu.memory_space<vmem>>
    %dma_wait3A_140 = arith.constant 0 : i32
    %dma_wait3A_141 = tpu.memref_slice %arg6[%dma_wait3A_134, %dma_wait3A_140] : memref<128x128xi32, #tpu.memory_space<vmem>> -> memref<1x128xi32, #tpu.memory_space<vmem>>
    %dma_wait3A_142 = tpu.memref_squeeze %dma_wait3A_141 : memref<1x128xi32, #tpu.memory_space<vmem>> -> memref<128xi32, #tpu.memory_space<vmem>>
    %dma_wait3A_143 = arith.constant 0 : i32
    %dma_wait3A_144 = arith.constant 0 : i32
    %dma_wait3A_145 = tpu.memref_slice %arg5[%dma_wait3A_143, %dma_wait3A_144] : memref<32x128xf32, #tpu.memory_space<vmem_shared>> -> memref<32x128xf32, #tpu.memory_space<vmem_shared>>
    tpu.wait_indirect_dma semaphore(%arg8 : memref<!tpu.dma_semaphore, #tpu.memory_space<semaphore_mem>>) src(%dma_wait3A_145 : memref<32x128xf32, #tpu.memory_space<vmem_shared>>) dst(%dma_wait3A_139 : memref<128x128xf32, #tpu.memory_space<vmem>>)
    %add3A_146 = arith.constant 384 : i32
    %add3A_147 = arith.addi %mul3A_2, %add3A_146 : i32
    %dma_start3A_148 = arith.constant 3 : i32
    %dma_start3A_149 = arith.constant 0 : i32
    %dma_start3A_150 = arith.constant 0 : i32
    %dma_start3A_151 = tpu.memref_slice %arg7[%dma_start3A_148, %dma_start3A_149, %dma_start3A_150] : memref<4x128x128xf32, #tpu.memory_space<vmem>> -> memref<1x128x128xf32, #tpu.memory_space<vmem>>
    %dma_start3A_152 = tpu.memref_squeeze %dma_start3A_151 : memref<1x128x128xf32, #tpu.memory_space<vmem>> -> memref<128x128xf32, #tpu.memory_space<vmem>>
    %dma_start3A_153 = arith.constant 0 : i32
    %dma_start3A_154 = tpu.memref_slice %arg4[%add3A_147, %dma_start3A_153] : memref<524288x128xf32, #tpu.memory_space<hbm>> -> memref<128x128xf32, #tpu.memory_space<hbm>>
    %dma_start3A_155 = arith.constant 0 : i32
    %dma_start3A_156 = tpu.memref_slice %arg4[%add3A_147, %dma_start3A_155] : memref<524288x128xf32, #tpu.memory_space<hbm>> -> memref<128x128xf32, #tpu.memory_space<hbm>>
    %dma_start3A_157 = arith.constant 0 : i32
    %dma_start3A_158 = arith.constant 0 : i32
    %dma_start3A_159 = tpu.memref_slice %arg7[%dma_start3A_148, %dma_start3A_157, %dma_start3A_158] : memref<4x128x128xf32, #tpu.memory_space<vmem>> -> memref<1x128x128xf32, #tpu.memory_space<vmem>>
    %dma_start3A_160 = tpu.memref_squeeze %dma_start3A_159 : memref<1x128x128xf32, #tpu.memory_space<vmem>> -> memref<128x128xf32, #tpu.memory_space<vmem>>
    tpu.enqueue_dma source(%dma_start3A_160 : memref<128x128xf32, #tpu.memory_space<vmem>>) target(%dma_start3A_156 : memref<128x128xf32, #tpu.memory_space<hbm>>) target_semaphore(%arg12 : memref<!tpu.dma_semaphore, #tpu.memory_space<semaphore_mem>>)
    %scan3A = arith.constant 0 : i32
    %scan3A_161 = arith.constant 1 : i32
    %scan3A_162 = arith.constant 31 : i32
    %scan3A_163 = arith.addi %scan3A_161, %scan3A_162 : i32
    %scan3A_164 = arith.constant 1 : i32
    scf.for %scan3A_226 = %scan3A_161 to %scan3A_163 step %scan3A_164  : i32 {
      %mul3A_227 = arith.constant 4 : i32
      %mul3A_228 = arith.muli %scan3A_226, %mul3A_227 : i32
      %add3A_229 = arith.constant 0 : i32
      %add3A_230 = arith.addi %mul3A_228, %add3A_229 : i32
      %sub3A = arith.constant 4 : i32
      %sub3A_231 = arith.subi %add3A_230, %sub3A : i32
      %mul3A_232 = arith.constant 128 : i32
      %mul3A_233 = arith.muli %sub3A_231, %mul3A_232 : i32
      %add3A_234 = arith.addi %mul3A_2, %mul3A_233 : i32
      %dma_wait3A_235 = arith.constant 0 : i32
      %dma_wait3A_236 = arith.constant 0 : i32
      %dma_wait3A_237 = arith.constant 0 : i32
      %dma_wait3A_238 = tpu.memref_slice %arg7[%dma_wait3A_235, %dma_wait3A_236, %dma_wait3A_237] : memref<4x128x128xf32, #tpu.memory_space<vmem>> -> memref<1x128x128xf32, #tpu.memory_space<vmem>>
      %dma_wait3A_239 = tpu.memref_squeeze %dma_wait3A_238 : memref<1x128x128xf32, #tpu.memory_space<vmem>> -> memref<128x128xf32, #tpu.memory_space<vmem>>
      %dma_wait3A_240 = arith.constant 0 : i32
      %dma_wait3A_241 = tpu.memref_slice %arg4[%add3A_234, %dma_wait3A_240] : memref<524288x128xf32, #tpu.memory_space<hbm>> -> memref<128x128xf32, #tpu.memory_space<hbm>>
      %dma_wait3A_242 = arith.constant 0 : i32
      %dma_wait3A_243 = tpu.memref_slice %arg4[%add3A_234, %dma_wait3A_242] : memref<524288x128xf32, #tpu.memory_space<hbm>> -> memref<128x128xf32, #tpu.memory_space<hbm>>
      %dma_wait3A_244 = arith.constant 0 : i32
      %dma_wait3A_245 = arith.constant 0 : i32
      %dma_wait3A_246 = tpu.memref_slice %arg7[%dma_wait3A_235, %dma_wait3A_244, %dma_wait3A_245] : memref<4x128x128xf32, #tpu.memory_space<vmem>> -> memref<1x128x128xf32, #tpu.memory_space<vmem>>
      %dma_wait3A_247 = tpu.memref_squeeze %dma_wait3A_246 : memref<1x128x128xf32, #tpu.memory_space<vmem>> -> memref<128x128xf32, #tpu.memory_space<vmem>>
      tpu.wait_dma2 semaphore(%arg9 : memref<!tpu.dma_semaphore, #tpu.memory_space<semaphore_mem>>) src(%dma_wait3A_247 : memref<128x128xf32, #tpu.memory_space<vmem>>) dst(%dma_wait3A_243 : memref<128x128xf32, #tpu.memory_space<hbm>>)
      %add3A_248 = arith.constant 0 : i32
      %add3A_249 = arith.addi %mul3A_228, %add3A_248 : i32
      %dma_start3A_250 = arith.constant 0 : i32
      %dma_start3A_251 = arith.constant 0 : i32
      %dma_start3A_252 = arith.constant 0 : i32
      %dma_start3A_253 = tpu.memref_slice %arg7[%dma_start3A_250, %dma_start3A_251, %dma_start3A_252] : memref<4x128x128xf32, #tpu.memory_space<vmem>> -> memref<1x128x128xf32, #tpu.memory_space<vmem>>
      %dma_start3A_254 = tpu.memref_squeeze %dma_start3A_253 : memref<1x128x128xf32, #tpu.memory_space<vmem>> -> memref<128x128xf32, #tpu.memory_space<vmem>>
      %dma_start3A_255 = arith.constant 0 : i32
      %dma_start3A_256 = tpu.memref_slice %arg6[%add3A_249, %dma_start3A_255] : memref<128x128xi32, #tpu.memory_space<vmem>> -> memref<1x128xi32, #tpu.memory_space<vmem>>
      %dma_start3A_257 = tpu.memref_squeeze %dma_start3A_256 : memref<1x128xi32, #tpu.memory_space<vmem>> -> memref<128xi32, #tpu.memory_space<vmem>>
      %dma_start3A_258 = arith.constant 0 : i32
      %dma_start3A_259 = arith.constant 0 : i32
      %dma_start3A_260 = tpu.memref_slice %arg5[%dma_start3A_258, %dma_start3A_259] : memref<32x128xf32, #tpu.memory_space<vmem_shared>> -> memref<32x128xf32, #tpu.memory_space<vmem_shared>>
      tpu.enqueue_indirect_dma source(%dma_start3A_260 : memref<32x128xf32, #tpu.memory_space<vmem_shared>>) target(%dma_start3A_254 : memref<128x128xf32, #tpu.memory_space<vmem>>) offsets(%dma_start3A_257 : memref<128xi32, #tpu.memory_space<vmem>>) semaphore(%arg8 : memref<!tpu.dma_semaphore, #tpu.memory_space<semaphore_mem>>)
      %add3A_261 = arith.constant 1 : i32
      %add3A_262 = arith.addi %mul3A_228, %add3A_261 : i32
      %sub3A_263 = arith.constant 4 : i32
      %sub3A_264 = arith.subi %add3A_262, %sub3A_263 : i32
      %mul3A_265 = arith.constant 128 : i32
      %mul3A_266 = arith.muli %sub3A_264, %mul3A_265 : i32
      %add3A_267 = arith.addi %mul3A_2, %mul3A_266 : i32
      %dma_wait3A_268 = arith.constant 1 : i32
      %dma_wait3A_269 = arith.constant 0 : i32
      %dma_wait3A_270 = arith.constant 0 : i32
      %dma_wait3A_271 = tpu.memref_slice %arg7[%dma_wait3A_268, %dma_wait3A_269, %dma_wait3A_270] : memref<4x128x128xf32, #tpu.memory_space<vmem>> -> memref<1x128x128xf32, #tpu.memory_space<vmem>>
      %dma_wait3A_272 = tpu.memref_squeeze %dma_wait3A_271 : memref<1x128x128xf32, #tpu.memory_space<vmem>> -> memref<128x128xf32, #tpu.memory_space<vmem>>
      %dma_wait3A_273 = arith.constant 0 : i32
      %dma_wait3A_274 = tpu.memref_slice %arg4[%add3A_267, %dma_wait3A_273] : memref<524288x128xf32, #tpu.memory_space<hbm>> -> memref<128x128xf32, #tpu.memory_space<hbm>>
      %dma_wait3A_275 = arith.constant 0 : i32
      %dma_wait3A_276 = tpu.memref_slice %arg4[%add3A_267, %dma_wait3A_275] : memref<524288x128xf32, #tpu.memory_space<hbm>> -> memref<128x128xf32, #tpu.memory_space<hbm>>
      %dma_wait3A_277 = arith.constant 0 : i32
      %dma_wait3A_278 = arith.constant 0 : i32
      %dma_wait3A_279 = tpu.memref_slice %arg7[%dma_wait3A_268, %dma_wait3A_277, %dma_wait3A_278] : memref<4x128x128xf32, #tpu.memory_space<vmem>> -> memref<1x128x128xf32, #tpu.memory_space<vmem>>
      %dma_wait3A_280 = tpu.memref_squeeze %dma_wait3A_279 : memref<1x128x128xf32, #tpu.memory_space<vmem>> -> memref<128x128xf32, #tpu.memory_space<vmem>>
      tpu.wait_dma2 semaphore(%arg10 : memref<!tpu.dma_semaphore, #tpu.memory_space<semaphore_mem>>) src(%dma_wait3A_280 : memref<128x128xf32, #tpu.memory_space<vmem>>) dst(%dma_wait3A_276 : memref<128x128xf32, #tpu.memory_space<hbm>>)
      %add3A_281 = arith.constant 1 : i32
      %add3A_282 = arith.addi %mul3A_228, %add3A_281 : i32
      %dma_start3A_283 = arith.constant 1 : i32
      %dma_start3A_284 = arith.constant 0 : i32
      %dma_start3A_285 = arith.constant 0 : i32
      %dma_start3A_286 = tpu.memref_slice %arg7[%dma_start3A_283, %dma_start3A_284, %dma_start3A_285] : memref<4x128x128xf32, #tpu.memory_space<vmem>> -> memref<1x128x128xf32, #tpu.memory_space<vmem>>
      %dma_start3A_287 = tpu.memref_squeeze %dma_start3A_286 : memref<1x128x128xf32, #tpu.memory_space<vmem>> -> memref<128x128xf32, #tpu.memory_space<vmem>>
      %dma_start3A_288 = arith.constant 0 : i32
      %dma_start3A_289 = tpu.memref_slice %arg6[%add3A_282, %dma_start3A_288] : memref<128x128xi32, #tpu.memory_space<vmem>> -> memref<1x128xi32, #tpu.memory_space<vmem>>
      %dma_start3A_290 = tpu.memref_squeeze %dma_start3A_289 : memref<1x128xi32, #tpu.memory_space<vmem>> -> memref<128xi32, #tpu.memory_space<vmem>>
      %dma_start3A_291 = arith.constant 0 : i32
      %dma_start3A_292 = arith.constant 0 : i32
      %dma_start3A_293 = tpu.memref_slice %arg5[%dma_start3A_291, %dma_start3A_292] : memref<32x128xf32, #tpu.memory_space<vmem_shared>> -> memref<32x128xf32, #tpu.memory_space<vmem_shared>>
      tpu.enqueue_indirect_dma source(%dma_start3A_293 : memref<32x128xf32, #tpu.memory_space<vmem_shared>>) target(%dma_start3A_287 : memref<128x128xf32, #tpu.memory_space<vmem>>) offsets(%dma_start3A_290 : memref<128xi32, #tpu.memory_space<vmem>>) semaphore(%arg8 : memref<!tpu.dma_semaphore, #tpu.memory_space<semaphore_mem>>)
      %add3A_294 = arith.constant 2 : i32
      %add3A_295 = arith.addi %mul3A_228, %add3A_294 : i32
      %sub3A_296 = arith.constant 4 : i32
      %sub3A_297 = arith.subi %add3A_295, %sub3A_296 : i32
      %mul3A_298 = arith.constant 128 : i32
      %mul3A_299 = arith.muli %sub3A_297, %mul3A_298 : i32
      %add3A_300 = arith.addi %mul3A_2, %mul3A_299 : i32
      %dma_wait3A_301 = arith.constant 2 : i32
      %dma_wait3A_302 = arith.constant 0 : i32
      %dma_wait3A_303 = arith.constant 0 : i32
      %dma_wait3A_304 = tpu.memref_slice %arg7[%dma_wait3A_301, %dma_wait3A_302, %dma_wait3A_303] : memref<4x128x128xf32, #tpu.memory_space<vmem>> -> memref<1x128x128xf32, #tpu.memory_space<vmem>>
      %dma_wait3A_305 = tpu.memref_squeeze %dma_wait3A_304 : memref<1x128x128xf32, #tpu.memory_space<vmem>> -> memref<128x128xf32, #tpu.memory_space<vmem>>
      %dma_wait3A_306 = arith.constant 0 : i32
      %dma_wait3A_307 = tpu.memref_slice %arg4[%add3A_300, %dma_wait3A_306] : memref<524288x128xf32, #tpu.memory_space<hbm>> -> memref<128x128xf32, #tpu.memory_space<hbm>>
      %dma_wait3A_308 = arith.constant 0 : i32
      %dma_wait3A_309 = tpu.memref_slice %arg4[%add3A_300, %dma_wait3A_308] : memref<524288x128xf32, #tpu.memory_space<hbm>> -> memref<128x128xf32, #tpu.memory_space<hbm>>
      %dma_wait3A_310 = arith.constant 0 : i32
      %dma_wait3A_311 = arith.constant 0 : i32
      %dma_wait3A_312 = tpu.memref_slice %arg7[%dma_wait3A_301, %dma_wait3A_310, %dma_wait3A_311] : memref<4x128x128xf32, #tpu.memory_space<vmem>> -> memref<1x128x128xf32, #tpu.memory_space<vmem>>
      %dma_wait3A_313 = tpu.memref_squeeze %dma_wait3A_312 : memref<1x128x128xf32, #tpu.memory_space<vmem>> -> memref<128x128xf32, #tpu.memory_space<vmem>>
      tpu.wait_dma2 semaphore(%arg11 : memref<!tpu.dma_semaphore, #tpu.memory_space<semaphore_mem>>) src(%dma_wait3A_313 : memref<128x128xf32, #tpu.memory_space<vmem>>) dst(%dma_wait3A_309 : memref<128x128xf32, #tpu.memory_space<hbm>>)
      %add3A_314 = arith.constant 2 : i32
      %add3A_315 = arith.addi %mul3A_228, %add3A_314 : i32
      %dma_start3A_316 = arith.constant 2 : i32
      %dma_start3A_317 = arith.constant 0 : i32
      %dma_start3A_318 = arith.constant 0 : i32
      %dma_start3A_319 = tpu.memref_slice %arg7[%dma_start3A_316, %dma_start3A_317, %dma_start3A_318] : memref<4x128x128xf32, #tpu.memory_space<vmem>> -> memref<1x128x128xf32, #tpu.memory_space<vmem>>
      %dma_start3A_320 = tpu.memref_squeeze %dma_start3A_319 : memref<1x128x128xf32, #tpu.memory_space<vmem>> -> memref<128x128xf32, #tpu.memory_space<vmem>>
      %dma_start3A_321 = arith.constant 0 : i32
      %dma_start3A_322 = tpu.memref_slice %arg6[%add3A_315, %dma_start3A_321] : memref<128x128xi32, #tpu.memory_space<vmem>> -> memref<1x128xi32, #tpu.memory_space<vmem>>
      %dma_start3A_323 = tpu.memref_squeeze %dma_start3A_322 : memref<1x128xi32, #tpu.memory_space<vmem>> -> memref<128xi32, #tpu.memory_space<vmem>>
      %dma_start3A_324 = arith.constant 0 : i32
      %dma_start3A_325 = arith.constant 0 : i32
      %dma_start3A_326 = tpu.memref_slice %arg5[%dma_start3A_324, %dma_start3A_325] : memref<32x128xf32, #tpu.memory_space<vmem_shared>> -> memref<32x128xf32, #tpu.memory_space<vmem_shared>>
      tpu.enqueue_indirect_dma source(%dma_start3A_326 : memref<32x128xf32, #tpu.memory_space<vmem_shared>>) target(%dma_start3A_320 : memref<128x128xf32, #tpu.memory_space<vmem>>) offsets(%dma_start3A_323 : memref<128xi32, #tpu.memory_space<vmem>>) semaphore(%arg8 : memref<!tpu.dma_semaphore, #tpu.memory_space<semaphore_mem>>)
      %add3A_327 = arith.constant 3 : i32
      %add3A_328 = arith.addi %mul3A_228, %add3A_327 : i32
      %sub3A_329 = arith.constant 4 : i32
      %sub3A_330 = arith.subi %add3A_328, %sub3A_329 : i32
      %mul3A_331 = arith.constant 128 : i32
      %mul3A_332 = arith.muli %sub3A_330, %mul3A_331 : i32
      %add3A_333 = arith.addi %mul3A_2, %mul3A_332 : i32
      %dma_wait3A_334 = arith.constant 3 : i32
      %dma_wait3A_335 = arith.constant 0 : i32
      %dma_wait3A_336 = arith.constant 0 : i32
      %dma_wait3A_337 = tpu.memref_slice %arg7[%dma_wait3A_334, %dma_wait3A_335, %dma_wait3A_336] : memref<4x128x128xf32, #tpu.memory_space<vmem>> -> memref<1x128x128xf32, #tpu.memory_space<vmem>>
      %dma_wait3A_338 = tpu.memref_squeeze %dma_wait3A_337 : memref<1x128x128xf32, #tpu.memory_space<vmem>> -> memref<128x128xf32, #tpu.memory_space<vmem>>
      %dma_wait3A_339 = arith.constant 0 : i32
      %dma_wait3A_340 = tpu.memref_slice %arg4[%add3A_333, %dma_wait3A_339] : memref<524288x128xf32, #tpu.memory_space<hbm>> -> memref<128x128xf32, #tpu.memory_space<hbm>>
      %dma_wait3A_341 = arith.constant 0 : i32
      %dma_wait3A_342 = tpu.memref_slice %arg4[%add3A_333, %dma_wait3A_341] : memref<524288x128xf32, #tpu.memory_space<hbm>> -> memref<128x128xf32, #tpu.memory_space<hbm>>
      %dma_wait3A_343 = arith.constant 0 : i32
      %dma_wait3A_344 = arith.constant 0 : i32
      %dma_wait3A_345 = tpu.memref_slice %arg7[%dma_wait3A_334, %dma_wait3A_343, %dma_wait3A_344] : memref<4x128x128xf32, #tpu.memory_space<vmem>> -> memref<1x128x128xf32, #tpu.memory_space<vmem>>
      %dma_wait3A_346 = tpu.memref_squeeze %dma_wait3A_345 : memref<1x128x128xf32, #tpu.memory_space<vmem>> -> memref<128x128xf32, #tpu.memory_space<vmem>>
      tpu.wait_dma2 semaphore(%arg12 : memref<!tpu.dma_semaphore, #tpu.memory_space<semaphore_mem>>) src(%dma_wait3A_346 : memref<128x128xf32, #tpu.memory_space<vmem>>) dst(%dma_wait3A_342 : memref<128x128xf32, #tpu.memory_space<hbm>>)
      %add3A_347 = arith.constant 3 : i32
      %add3A_348 = arith.addi %mul3A_228, %add3A_347 : i32
      %dma_start3A_349 = arith.constant 3 : i32
      %dma_start3A_350 = arith.constant 0 : i32
      %dma_start3A_351 = arith.constant 0 : i32
      %dma_start3A_352 = tpu.memref_slice %arg7[%dma_start3A_349, %dma_start3A_350, %dma_start3A_351] : memref<4x128x128xf32, #tpu.memory_space<vmem>> -> memref<1x128x128xf32, #tpu.memory_space<vmem>>
      %dma_start3A_353 = tpu.memref_squeeze %dma_start3A_352 : memref<1x128x128xf32, #tpu.memory_space<vmem>> -> memref<128x128xf32, #tpu.memory_space<vmem>>
      %dma_start3A_354 = arith.constant 0 : i32
      %dma_start3A_355 = tpu.memref_slice %arg6[%add3A_348, %dma_start3A_354] : memref<128x128xi32, #tpu.memory_space<vmem>> -> memref<1x128xi32, #tpu.memory_space<vmem>>
      %dma_start3A_356 = tpu.memref_squeeze %dma_start3A_355 : memref<1x128xi32, #tpu.memory_space<vmem>> -> memref<128xi32, #tpu.memory_space<vmem>>
      %dma_start3A_357 = arith.constant 0 : i32
      %dma_start3A_358 = arith.constant 0 : i32
      %dma_start3A_359 = tpu.memref_slice %arg5[%dma_start3A_357, %dma_start3A_358] : memref<32x128xf32, #tpu.memory_space<vmem_shared>> -> memref<32x128xf32, #tpu.memory_space<vmem_shared>>
      tpu.enqueue_indirect_dma source(%dma_start3A_359 : memref<32x128xf32, #tpu.memory_space<vmem_shared>>) target(%dma_start3A_353 : memref<128x128xf32, #tpu.memory_space<vmem>>) offsets(%dma_start3A_356 : memref<128xi32, #tpu.memory_space<vmem>>) semaphore(%arg8 : memref<!tpu.dma_semaphore, #tpu.memory_space<semaphore_mem>>)
      %dma_wait3A_360 = arith.constant 0 : i32
      %dma_wait3A_361 = arith.constant 0 : i32
      %dma_wait3A_362 = arith.constant 0 : i32
      %dma_wait3A_363 = tpu.memref_slice %arg7[%dma_wait3A_360, %dma_wait3A_361, %dma_wait3A_362] : memref<4x128x128xf32, #tpu.memory_space<vmem>> -> memref<1x128x128xf32, #tpu.memory_space<vmem>>
      %dma_wait3A_364 = tpu.memref_squeeze %dma_wait3A_363 : memref<1x128x128xf32, #tpu.memory_space<vmem>> -> memref<128x128xf32, #tpu.memory_space<vmem>>
      %dma_wait3A_365 = arith.constant 0 : i32
      %dma_wait3A_366 = tpu.memref_slice %arg6[%add3A_249, %dma_wait3A_365] : memref<128x128xi32, #tpu.memory_space<vmem>> -> memref<1x128xi32, #tpu.memory_space<vmem>>
      %dma_wait3A_367 = tpu.memref_squeeze %dma_wait3A_366 : memref<1x128xi32, #tpu.memory_space<vmem>> -> memref<128xi32, #tpu.memory_space<vmem>>
      %dma_wait3A_368 = arith.constant 0 : i32
      %dma_wait3A_369 = arith.constant 0 : i32
      %dma_wait3A_370 = tpu.memref_slice %arg5[%dma_wait3A_368, %dma_wait3A_369] : memref<32x128xf32, #tpu.memory_space<vmem_shared>> -> memref<32x128xf32, #tpu.memory_space<vmem_shared>>
      tpu.wait_indirect_dma semaphore(%arg8 : memref<!tpu.dma_semaphore, #tpu.memory_space<semaphore_mem>>) src(%dma_wait3A_370 : memref<32x128xf32, #tpu.memory_space<vmem_shared>>) dst(%dma_wait3A_364 : memref<128x128xf32, #tpu.memory_space<vmem>>)
      %add3A_371 = arith.constant 0 : i32
      %add3A_372 = arith.addi %mul3A_228, %add3A_371 : i32
      %mul3A_373 = arith.constant 128 : i32
      %mul3A_374 = arith.muli %add3A_372, %mul3A_373 : i32
      %add3A_375 = arith.addi %mul3A_2, %mul3A_374 : i32
      %dma_start3A_376 = arith.constant 0 : i32
      %dma_start3A_377 = arith.constant 0 : i32
      %dma_start3A_378 = arith.constant 0 : i32
      %dma_start3A_379 = tpu.memref_slice %arg7[%dma_start3A_376, %dma_start3A_377, %dma_start3A_378] : memref<4x128x128xf32, #tpu.memory_space<vmem>> -> memref<1x128x128xf32, #tpu.memory_space<vmem>>
      %dma_start3A_380 = tpu.memref_squeeze %dma_start3A_379 : memref<1x128x128xf32, #tpu.memory_space<vmem>> -> memref<128x128xf32, #tpu.memory_space<vmem>>
      %dma_start3A_381 = arith.constant 0 : i32
      %dma_start3A_382 = tpu.memref_slice %arg4[%add3A_375, %dma_start3A_381] : memref<524288x128xf32, #tpu.memory_space<hbm>> -> memref<128x128xf32, #tpu.memory_space<hbm>>
      %dma_start3A_383 = arith.constant 0 : i32
      %dma_start3A_384 = tpu.memref_slice %arg4[%add3A_375, %dma_start3A_383] : memref<524288x128xf32, #tpu.memory_space<hbm>> -> memref<128x128xf32, #tpu.memory_space<hbm>>
      %dma_start3A_385 = arith.constant 0 : i32
      %dma_start3A_386 = arith.constant 0 : i32
      %dma_start3A_387 = tpu.memref_slice %arg7[%dma_start3A_376, %dma_start3A_385, %dma_start3A_386] : memref<4x128x128xf32, #tpu.memory_space<vmem>> -> memref<1x128x128xf32, #tpu.memory_space<vmem>>
      %dma_start3A_388 = tpu.memref_squeeze %dma_start3A_387 : memref<1x128x128xf32, #tpu.memory_space<vmem>> -> memref<128x128xf32, #tpu.memory_space<vmem>>
      tpu.enqueue_dma source(%dma_start3A_388 : memref<128x128xf32, #tpu.memory_space<vmem>>) target(%dma_start3A_384 : memref<128x128xf32, #tpu.memory_space<hbm>>) target_semaphore(%arg9 : memref<!tpu.dma_semaphore, #tpu.memory_space<semaphore_mem>>)
      %dma_wait3A_389 = arith.constant 1 : i32
      %dma_wait3A_390 = arith.constant 0 : i32
      %dma_wait3A_391 = arith.constant 0 : i32
      %dma_wait3A_392 = tpu.memref_slice %arg7[%dma_wait3A_389, %dma_wait3A_390, %dma_wait3A_391] : memref<4x128x128xf32, #tpu.memory_space<vmem>> -> memref<1x128x128xf32, #tpu.memory_space<vmem>>
      %dma_wait3A_393 = tpu.memref_squeeze %dma_wait3A_392 : memref<1x128x128xf32, #tpu.memory_space<vmem>> -> memref<128x128xf32, #tpu.memory_space<vmem>>
      %dma_wait3A_394 = arith.constant 0 : i32
      %dma_wait3A_395 = tpu.memref_slice %arg6[%add3A_282, %dma_wait3A_394] : memref<128x128xi32, #tpu.memory_space<vmem>> -> memref<1x128xi32, #tpu.memory_space<vmem>>
      %dma_wait3A_396 = tpu.memref_squeeze %dma_wait3A_395 : memref<1x128xi32, #tpu.memory_space<vmem>> -> memref<128xi32, #tpu.memory_space<vmem>>
      %dma_wait3A_397 = arith.constant 0 : i32
      %dma_wait3A_398 = arith.constant 0 : i32
      %dma_wait3A_399 = tpu.memref_slice %arg5[%dma_wait3A_397, %dma_wait3A_398] : memref<32x128xf32, #tpu.memory_space<vmem_shared>> -> memref<32x128xf32, #tpu.memory_space<vmem_shared>>
      tpu.wait_indirect_dma semaphore(%arg8 : memref<!tpu.dma_semaphore, #tpu.memory_space<semaphore_mem>>) src(%dma_wait3A_399 : memref<32x128xf32, #tpu.memory_space<vmem_shared>>) dst(%dma_wait3A_393 : memref<128x128xf32, #tpu.memory_space<vmem>>)
      %add3A_400 = arith.constant 1 : i32
      %add3A_401 = arith.addi %mul3A_228, %add3A_400 : i32
      %mul3A_402 = arith.constant 128 : i32
      %mul3A_403 = arith.muli %add3A_401, %mul3A_402 : i32
      %add3A_404 = arith.addi %mul3A_2, %mul3A_403 : i32
      %dma_start3A_405 = arith.constant 1 : i32
      %dma_start3A_406 = arith.constant 0 : i32
      %dma_start3A_407 = arith.constant 0 : i32
      %dma_start3A_408 = tpu.memref_slice %arg7[%dma_start3A_405, %dma_start3A_406, %dma_start3A_407] : memref<4x128x128xf32, #tpu.memory_space<vmem>> -> memref<1x128x128xf32, #tpu.memory_space<vmem>>
      %dma_start3A_409 = tpu.memref_squeeze %dma_start3A_408 : memref<1x128x128xf32, #tpu.memory_space<vmem>> -> memref<128x128xf32, #tpu.memory_space<vmem>>
      %dma_start3A_410 = arith.constant 0 : i32
      %dma_start3A_411 = tpu.memref_slice %arg4[%add3A_404, %dma_start3A_410] : memref<524288x128xf32, #tpu.memory_space<hbm>> -> memref<128x128xf32, #tpu.memory_space<hbm>>
      %dma_start3A_412 = arith.constant 0 : i32
      %dma_start3A_413 = tpu.memref_slice %arg4[%add3A_404, %dma_start3A_412] : memref<524288x128xf32, #tpu.memory_space<hbm>> -> memref<128x128xf32, #tpu.memory_space<hbm>>
      %dma_start3A_414 = arith.constant 0 : i32
      %dma_start3A_415 = arith.constant 0 : i32
      %dma_start3A_416 = tpu.memref_slice %arg7[%dma_start3A_405, %dma_start3A_414, %dma_start3A_415] : memref<4x128x128xf32, #tpu.memory_space<vmem>> -> memref<1x128x128xf32, #tpu.memory_space<vmem>>
      %dma_start3A_417 = tpu.memref_squeeze %dma_start3A_416 : memref<1x128x128xf32, #tpu.memory_space<vmem>> -> memref<128x128xf32, #tpu.memory_space<vmem>>
      tpu.enqueue_dma source(%dma_start3A_417 : memref<128x128xf32, #tpu.memory_space<vmem>>) target(%dma_start3A_413 : memref<128x128xf32, #tpu.memory_space<hbm>>) target_semaphore(%arg10 : memref<!tpu.dma_semaphore, #tpu.memory_space<semaphore_mem>>)
      %dma_wait3A_418 = arith.constant 2 : i32
      %dma_wait3A_419 = arith.constant 0 : i32
      %dma_wait3A_420 = arith.constant 0 : i32
      %dma_wait3A_421 = tpu.memref_slice %arg7[%dma_wait3A_418, %dma_wait3A_419, %dma_wait3A_420] : memref<4x128x128xf32, #tpu.memory_space<vmem>> -> memref<1x128x128xf32, #tpu.memory_space<vmem>>
      %dma_wait3A_422 = tpu.memref_squeeze %dma_wait3A_421 : memref<1x128x128xf32, #tpu.memory_space<vmem>> -> memref<128x128xf32, #tpu.memory_space<vmem>>
      %dma_wait3A_423 = arith.constant 0 : i32
      %dma_wait3A_424 = tpu.memref_slice %arg6[%add3A_315, %dma_wait3A_423] : memref<128x128xi32, #tpu.memory_space<vmem>> -> memref<1x128xi32, #tpu.memory_space<vmem>>
      %dma_wait3A_425 = tpu.memref_squeeze %dma_wait3A_424 : memref<1x128xi32, #tpu.memory_space<vmem>> -> memref<128xi32, #tpu.memory_space<vmem>>
      %dma_wait3A_426 = arith.constant 0 : i32
      %dma_wait3A_427 = arith.constant 0 : i32
      %dma_wait3A_428 = tpu.memref_slice %arg5[%dma_wait3A_426, %dma_wait3A_427] : memref<32x128xf32, #tpu.memory_space<vmem_shared>> -> memref<32x128xf32, #tpu.memory_space<vmem_shared>>
      tpu.wait_indirect_dma semaphore(%arg8 : memref<!tpu.dma_semaphore, #tpu.memory_space<semaphore_mem>>) src(%dma_wait3A_428 : memref<32x128xf32, #tpu.memory_space<vmem_shared>>) dst(%dma_wait3A_422 : memref<128x128xf32, #tpu.memory_space<vmem>>)
      %add3A_429 = arith.constant 2 : i32
      %add3A_430 = arith.addi %mul3A_228, %add3A_429 : i32
      %mul3A_431 = arith.constant 128 : i32
      %mul3A_432 = arith.muli %add3A_430, %mul3A_431 : i32
      %add3A_433 = arith.addi %mul3A_2, %mul3A_432 : i32
      %dma_start3A_434 = arith.constant 2 : i32
      %dma_start3A_435 = arith.constant 0 : i32
      %dma_start3A_436 = arith.constant 0 : i32
      %dma_start3A_437 = tpu.memref_slice %arg7[%dma_start3A_434, %dma_start3A_435, %dma_start3A_436] : memref<4x128x128xf32, #tpu.memory_space<vmem>> -> memref<1x128x128xf32, #tpu.memory_space<vmem>>
      %dma_start3A_438 = tpu.memref_squeeze %dma_start3A_437 : memref<1x128x128xf32, #tpu.memory_space<vmem>> -> memref<128x128xf32, #tpu.memory_space<vmem>>
      %dma_start3A_439 = arith.constant 0 : i32
      %dma_start3A_440 = tpu.memref_slice %arg4[%add3A_433, %dma_start3A_439] : memref<524288x128xf32, #tpu.memory_space<hbm>> -> memref<128x128xf32, #tpu.memory_space<hbm>>
      %dma_start3A_441 = arith.constant 0 : i32
      %dma_start3A_442 = tpu.memref_slice %arg4[%add3A_433, %dma_start3A_441] : memref<524288x128xf32, #tpu.memory_space<hbm>> -> memref<128x128xf32, #tpu.memory_space<hbm>>
      %dma_start3A_443 = arith.constant 0 : i32
      %dma_start3A_444 = arith.constant 0 : i32
      %dma_start3A_445 = tpu.memref_slice %arg7[%dma_start3A_434, %dma_start3A_443, %dma_start3A_444] : memref<4x128x128xf32, #tpu.memory_space<vmem>> -> memref<1x128x128xf32, #tpu.memory_space<vmem>>
      %dma_start3A_446 = tpu.memref_squeeze %dma_start3A_445 : memref<1x128x128xf32, #tpu.memory_space<vmem>> -> memref<128x128xf32, #tpu.memory_space<vmem>>
      tpu.enqueue_dma source(%dma_start3A_446 : memref<128x128xf32, #tpu.memory_space<vmem>>) target(%dma_start3A_442 : memref<128x128xf32, #tpu.memory_space<hbm>>) target_semaphore(%arg11 : memref<!tpu.dma_semaphore, #tpu.memory_space<semaphore_mem>>)
      %dma_wait3A_447 = arith.constant 3 : i32
      %dma_wait3A_448 = arith.constant 0 : i32
      %dma_wait3A_449 = arith.constant 0 : i32
      %dma_wait3A_450 = tpu.memref_slice %arg7[%dma_wait3A_447, %dma_wait3A_448, %dma_wait3A_449] : memref<4x128x128xf32, #tpu.memory_space<vmem>> -> memref<1x128x128xf32, #tpu.memory_space<vmem>>
      %dma_wait3A_451 = tpu.memref_squeeze %dma_wait3A_450 : memref<1x128x128xf32, #tpu.memory_space<vmem>> -> memref<128x128xf32, #tpu.memory_space<vmem>>
      %dma_wait3A_452 = arith.constant 0 : i32
      %dma_wait3A_453 = tpu.memref_slice %arg6[%add3A_348, %dma_wait3A_452] : memref<128x128xi32, #tpu.memory_space<vmem>> -> memref<1x128xi32, #tpu.memory_space<vmem>>
      %dma_wait3A_454 = tpu.memref_squeeze %dma_wait3A_453 : memref<1x128xi32, #tpu.memory_space<vmem>> -> memref<128xi32, #tpu.memory_space<vmem>>
      %dma_wait3A_455 = arith.constant 0 : i32
      %dma_wait3A_456 = arith.constant 0 : i32
      %dma_wait3A_457 = tpu.memref_slice %arg5[%dma_wait3A_455, %dma_wait3A_456] : memref<32x128xf32, #tpu.memory_space<vmem_shared>> -> memref<32x128xf32, #tpu.memory_space<vmem_shared>>
      tpu.wait_indirect_dma semaphore(%arg8 : memref<!tpu.dma_semaphore, #tpu.memory_space<semaphore_mem>>) src(%dma_wait3A_457 : memref<32x128xf32, #tpu.memory_space<vmem_shared>>) dst(%dma_wait3A_451 : memref<128x128xf32, #tpu.memory_space<vmem>>)
      %add3A_458 = arith.constant 3 : i32
      %add3A_459 = arith.addi %mul3A_228, %add3A_458 : i32
      %mul3A_460 = arith.constant 128 : i32
      %mul3A_461 = arith.muli %add3A_459, %mul3A_460 : i32
      %add3A_462 = arith.addi %mul3A_2, %mul3A_461 : i32
      %dma_start3A_463 = arith.constant 3 : i32
      %dma_start3A_464 = arith.constant 0 : i32
      %dma_start3A_465 = arith.constant 0 : i32
      %dma_start3A_466 = tpu.memref_slice %arg7[%dma_start3A_463, %dma_start3A_464, %dma_start3A_465] : memref<4x128x128xf32, #tpu.memory_space<vmem>> -> memref<1x128x128xf32, #tpu.memory_space<vmem>>
      %dma_start3A_467 = tpu.memref_squeeze %dma_start3A_466 : memref<1x128x128xf32, #tpu.memory_space<vmem>> -> memref<128x128xf32, #tpu.memory_space<vmem>>
      %dma_start3A_468 = arith.constant 0 : i32
      %dma_start3A_469 = tpu.memref_slice %arg4[%add3A_462, %dma_start3A_468] : memref<524288x128xf32, #tpu.memory_space<hbm>> -> memref<128x128xf32, #tpu.memory_space<hbm>>
      %dma_start3A_470 = arith.constant 0 : i32
      %dma_start3A_471 = tpu.memref_slice %arg4[%add3A_462, %dma_start3A_470] : memref<524288x128xf32, #tpu.memory_space<hbm>> -> memref<128x128xf32, #tpu.memory_space<hbm>>
      %dma_start3A_472 = arith.constant 0 : i32
      %dma_start3A_473 = arith.constant 0 : i32
      %dma_start3A_474 = tpu.memref_slice %arg7[%dma_start3A_463, %dma_start3A_472, %dma_start3A_473] : memref<4x128x128xf32, #tpu.memory_space<vmem>> -> memref<1x128x128xf32, #tpu.memory_space<vmem>>
      %dma_start3A_475 = tpu.memref_squeeze %dma_start3A_474 : memref<1x128x128xf32, #tpu.memory_space<vmem>> -> memref<128x128xf32, #tpu.memory_space<vmem>>
      tpu.enqueue_dma source(%dma_start3A_475 : memref<128x128xf32, #tpu.memory_space<vmem>>) target(%dma_start3A_471 : memref<128x128xf32, #tpu.memory_space<hbm>>) target_semaphore(%arg12 : memref<!tpu.dma_semaphore, #tpu.memory_space<semaphore_mem>>)
    }
    %scan3A_165 = arith.constant 31 : i32
    %add3A_166 = arith.constant 15872 : i32
    %add3A_167 = arith.addi %mul3A_2, %add3A_166 : i32
    %dma_wait3A_168 = arith.constant 0 : i32
    %dma_wait3A_169 = arith.constant 0 : i32
    %dma_wait3A_170 = arith.constant 0 : i32
    %dma_wait3A_171 = tpu.memref_slice %arg7[%dma_wait3A_168, %dma_wait3A_169, %dma_wait3A_170] : memref<4x128x128xf32, #tpu.memory_space<vmem>> -> memref<1x128x128xf32, #tpu.memory_space<vmem>>
    %dma_wait3A_172 = tpu.memref_squeeze %dma_wait3A_171 : memref<1x128x128xf32, #tpu.memory_space<vmem>> -> memref<128x128xf32, #tpu.memory_space<vmem>>
    %dma_wait3A_173 = arith.constant 0 : i32
    %dma_wait3A_174 = tpu.memref_slice %arg4[%add3A_167, %dma_wait3A_173] : memref<524288x128xf32, #tpu.memory_space<hbm>> -> memref<128x128xf32, #tpu.memory_space<hbm>>
    %dma_wait3A_175 = arith.constant 0 : i32
    %dma_wait3A_176 = tpu.memref_slice %arg4[%add3A_167, %dma_wait3A_175] : memref<524288x128xf32, #tpu.memory_space<hbm>> -> memref<128x128xf32, #tpu.memory_space<hbm>>
    %dma_wait3A_177 = arith.constant 0 : i32
    %dma_wait3A_178 = arith.constant 0 : i32
    %dma_wait3A_179 = tpu.memref_slice %arg7[%dma_wait3A_168, %dma_wait3A_177, %dma_wait3A_178] : memref<4x128x128xf32, #tpu.memory_space<vmem>> -> memref<1x128x128xf32, #tpu.memory_space<vmem>>
    %dma_wait3A_180 = tpu.memref_squeeze %dma_wait3A_179 : memref<1x128x128xf32, #tpu.memory_space<vmem>> -> memref<128x128xf32, #tpu.memory_space<vmem>>
    tpu.wait_dma2 semaphore(%arg9 : memref<!tpu.dma_semaphore, #tpu.memory_space<semaphore_mem>>) src(%dma_wait3A_180 : memref<128x128xf32, #tpu.memory_space<vmem>>) dst(%dma_wait3A_176 : memref<128x128xf32, #tpu.memory_space<hbm>>)
    %add3A_181 = arith.constant 16000 : i32
    %add3A_182 = arith.addi %mul3A_2, %add3A_181 : i32
    %dma_wait3A_183 = arith.constant 1 : i32
    %dma_wait3A_184 = arith.constant 0 : i32
    %dma_wait3A_185 = arith.constant 0 : i32
    %dma_wait3A_186 = tpu.memref_slice %arg7[%dma_wait3A_183, %dma_wait3A_184, %dma_wait3A_185] : memref<4x128x128xf32, #tpu.memory_space<vmem>> -> memref<1x128x128xf32, #tpu.memory_space<vmem>>
    %dma_wait3A_187 = tpu.memref_squeeze %dma_wait3A_186 : memref<1x128x128xf32, #tpu.memory_space<vmem>> -> memref<128x128xf32, #tpu.memory_space<vmem>>
    %dma_wait3A_188 = arith.constant 0 : i32
    %dma_wait3A_189 = tpu.memref_slice %arg4[%add3A_182, %dma_wait3A_188] : memref<524288x128xf32, #tpu.memory_space<hbm>> -> memref<128x128xf32, #tpu.memory_space<hbm>>
    %dma_wait3A_190 = arith.constant 0 : i32
    %dma_wait3A_191 = tpu.memref_slice %arg4[%add3A_182, %dma_wait3A_190] : memref<524288x128xf32, #tpu.memory_space<hbm>> -> memref<128x128xf32, #tpu.memory_space<hbm>>
    %dma_wait3A_192 = arith.constant 0 : i32
    %dma_wait3A_193 = arith.constant 0 : i32
    %dma_wait3A_194 = tpu.memref_slice %arg7[%dma_wait3A_183, %dma_wait3A_192, %dma_wait3A_193] : memref<4x128x128xf32, #tpu.memory_space<vmem>> -> memref<1x128x128xf32, #tpu.memory_space<vmem>>
    %dma_wait3A_195 = tpu.memref_squeeze %dma_wait3A_194 : memref<1x128x128xf32, #tpu.memory_space<vmem>> -> memref<128x128xf32, #tpu.memory_space<vmem>>
    tpu.wait_dma2 semaphore(%arg10 : memref<!tpu.dma_semaphore, #tpu.memory_space<semaphore_mem>>) src(%dma_wait3A_195 : memref<128x128xf32, #tpu.memory_space<vmem>>) dst(%dma_wait3A_191 : memref<128x128xf32, #tpu.memory_space<hbm>>)
    %add3A_196 = arith.constant 16128 : i32
    %add3A_197 = arith.addi %mul3A_2, %add3A_196 : i32
    %dma_wait3A_198 = arith.constant 2 : i32
    %dma_wait3A_199 = arith.constant 0 : i32
    %dma_wait3A_200 = arith.constant 0 : i32
    %dma_wait3A_201 = tpu.memref_slice %arg7[%dma_wait3A_198, %dma_wait3A_199, %dma_wait3A_200] : memref<4x128x128xf32, #tpu.memory_space<vmem>> -> memref<1x128x128xf32, #tpu.memory_space<vmem>>
    %dma_wait3A_202 = tpu.memref_squeeze %dma_wait3A_201 : memref<1x128x128xf32, #tpu.memory_space<vmem>> -> memref<128x128xf32, #tpu.memory_space<vmem>>
    %dma_wait3A_203 = arith.constant 0 : i32
    %dma_wait3A_204 = tpu.memref_slice %arg4[%add3A_197, %dma_wait3A_203] : memref<524288x128xf32, #tpu.memory_space<hbm>> -> memref<128x128xf32, #tpu.memory_space<hbm>>
    %dma_wait3A_205 = arith.constant 0 : i32
    %dma_wait3A_206 = tpu.memref_slice %arg4[%add3A_197, %dma_wait3A_205] : memref<524288x128xf32, #tpu.memory_space<hbm>> -> memref<128x128xf32, #tpu.memory_space<hbm>>
    %dma_wait3A_207 = arith.constant 0 : i32
    %dma_wait3A_208 = arith.constant 0 : i32
    %dma_wait3A_209 = tpu.memref_slice %arg7[%dma_wait3A_198, %dma_wait3A_207, %dma_wait3A_208] : memref<4x128x128xf32, #tpu.memory_space<vmem>> -> memref<1x128x128xf32, #tpu.memory_space<vmem>>
    %dma_wait3A_210 = tpu.memref_squeeze %dma_wait3A_209 : memref<1x128x128xf32, #tpu.memory_space<vmem>> -> memref<128x128xf32, #tpu.memory_space<vmem>>
    tpu.wait_dma2 semaphore(%arg11 : memref<!tpu.dma_semaphore, #tpu.memory_space<semaphore_mem>>) src(%dma_wait3A_210 : memref<128x128xf32, #tpu.memory_space<vmem>>) dst(%dma_wait3A_206 : memref<128x128xf32, #tpu.memory_space<hbm>>)
    %add3A_211 = arith.constant 16256 : i32
    %add3A_212 = arith.addi %mul3A_2, %add3A_211 : i32
    %dma_wait3A_213 = arith.constant 3 : i32
    %dma_wait3A_214 = arith.constant 0 : i32
    %dma_wait3A_215 = arith.constant 0 : i32
    %dma_wait3A_216 = tpu.memref_slice %arg7[%dma_wait3A_213, %dma_wait3A_214, %dma_wait3A_215] : memref<4x128x128xf32, #tpu.memory_space<vmem>> -> memref<1x128x128xf32, #tpu.memory_space<vmem>>
    %dma_wait3A_217 = tpu.memref_squeeze %dma_wait3A_216 : memref<1x128x128xf32, #tpu.memory_space<vmem>> -> memref<128x128xf32, #tpu.memory_space<vmem>>
    %dma_wait3A_218 = arith.constant 0 : i32
    %dma_wait3A_219 = tpu.memref_slice %arg4[%add3A_212, %dma_wait3A_218] : memref<524288x128xf32, #tpu.memory_space<hbm>> -> memref<128x128xf32, #tpu.memory_space<hbm>>
    %dma_wait3A_220 = arith.constant 0 : i32
    %dma_wait3A_221 = tpu.memref_slice %arg4[%add3A_212, %dma_wait3A_220] : memref<524288x128xf32, #tpu.memory_space<hbm>> -> memref<128x128xf32, #tpu.memory_space<hbm>>
    %dma_wait3A_222 = arith.constant 0 : i32
    %dma_wait3A_223 = arith.constant 0 : i32
    %dma_wait3A_224 = tpu.memref_slice %arg7[%dma_wait3A_213, %dma_wait3A_222, %dma_wait3A_223] : memref<4x128x128xf32, #tpu.memory_space<vmem>> -> memref<1x128x128xf32, #tpu.memory_space<vmem>>
    %dma_wait3A_225 = tpu.memref_squeeze %dma_wait3A_224 : memref<1x128x128xf32, #tpu.memory_space<vmem>> -> memref<128x128xf32, #tpu.memory_space<vmem>>
    tpu.wait_dma2 semaphore(%arg12 : memref<!tpu.dma_semaphore, #tpu.memory_space<semaphore_mem>>) src(%dma_wait3A_225 : memref<128x128xf32, #tpu.memory_space<vmem>>) dst(%dma_wait3A_221 : memref<128x128xf32, #tpu.memory_space<hbm>>)
    return
  }
}

</mosaic_0001>

<sc_bundles>
// kernel: kernel.3.cloned.1.call-start
scs
__scs_entry_jumppad:
0x0: {  	(pc) =	sbr.rel $0x88, $3  }
0x1: {  	(tag) =	ssettag $0x0;
	lr =	simm.s32 $0x1  }
0x2: {  	[smem:$0x3F9F] =	sst lr;
	_ =	strace $0xD0000000  }
0x3: {  	_ = 	snop  }
0x4: {  	_ = 	snop  }
0x5: {  	_ = 	snop  }
0x6: {  	_ = 	snop  }
0x7: {  	_ = 	snop  }
__scs_overlays_trampoline_lowered:
0x8: {  	[smem:$0x3FAE] =	sst s0  }
0x9: {  	[smem:$0x3FAF] =	sst s1  }
0xa: {  	[smem:$0x3FB0] =	sst s2  }
0xb: {  	[smem:$0x3FB1] =	sst s3  }
0xc: {  	[smem:$0x3FB2] =	sst s4  }
0xd: {  	[smem:$0x3FB3] =	sst s5  }
0xe: {  	[smem:$0x3FB4] =	sst s6  }
0xf: {  	[smem:$0x3FB5] =	sst s7  }
0x10: {  	[smem:$0x3FB6] =	sst s8  }
0x11: {  	[smem:$0x3FB7] =	sst s9;
	s0 =	simm.s32 @!p0 $0x0  }
0x12: {  	s1 =	sld [smem:$0x3F9D];
	s0 =	simm.s32 @p0 $0x1  }
0x13: {  	[smem:$0x3FB8] =	sst s0;
	s0 =	simm.s32 @!p1 $0x0  }
0x14: {  	s2 =	sld [smem:$0x3F9C];
	s0 =	simm.s32 @p1 $0x1  }
0x15: {  	[smem:$0x3FB9] =	sst s0;
	s0 =	simm.s32 @!p2 $0x0  }
0x16: {  	s3 =	sld [smem:$0x3FDB];
	s0 =	simm.s32 @p2 $0x1  }
0x17: {  	s4 =	simm.s32 $0x1BF5;
	[smem:$0x3FBB] =	sst s0  }
0x18: {  	s0 =	sld [smem:$0x3F9E];
	_ =	swait.ge [sflag:s4], $0x0  }
0x19: {  	s7 =	sld [smem:$0x3F9F]  }
0x1a: {  	s8 =	sadd.s32 $0xFFFFE003, lr  }
0x1b: {  	s9 =	sadd.s32 $0xFFFFFEF7, lr;
	s5 =	simm.s32 $0xFFFFFFFF;
	p2 =	slt.u32 s8, $0xFFFFF086  }
0x1c: {  	p1 =	slt.u32 s9, $0xF7A;
	s5 =	simm.s32 @!p2 $0x0  }
0x1d: {  	s5 =	simm.s32 @p1 $0x1;
	p0 =	seq.s32 s7, s2  }
0x1e: {  	s7 =	smul.u32 @!p0 $0xF7A, s2;
	p2 =	seq.s32 @!p0 s5, $0x0  }
0x1f: {  	s9 =	smul.u32 $0xF7A, s1;
	s8 =	simm.s32 @!p0 $0x1BF5;
	p2 =	por !p2, p0  }
0x20: {  	[sflag:s8] =	ssyncset.s32 @!p0 $0xFFFFF086;
	s6 =	sadd.s32 @!p0 s3, s7;
	s7 =	simm.s32 @!p0 $0x108  }
0x21: {  	s3 =	sadd.s32 s3, s9;
	s6 =	sadd.s32 @!p0 $0x88, s6;
	s7 =	simm.s32 @p2 $0x1082  }
0x22: {  	[simem:s7], [sflag:s8] =	dma.local @!p0 [hbm:s6], $0xF7A  }
0x23: {  	s9 =	sor.u32 $0xD0000000, s2;
	s6 =	simm.s32 $0x108;
	_ =	swait.ge @!p0 [sflag:s8], $0x0  }
0x24: {  	s3 =	sadd.s32 $0x88, s3;
	s6 =	simm.s32 @!p1 $0x1082;
	[sflag:s4] =	ssyncset.s32 $0xFFFFF086  }
0x25: {  	[simem:s6], [sflag:s4] =	dma.local [hbm:s3], $0xF7A  }
0x26: {  	[smem:$0x3F9F] =	sst s1;
	(tag) =	ssettag s2;
	_ =	strace s9  }
0x27: {  	s1 =	sld [smem:$0x3FAF]  }
0x28: {  	s2 =	sld [smem:$0x3FB0]  }
0x29: {  	s4 =	sld [smem:$0x3FB2]  }
0x2a: {  	p0 =	seq.s32 s5, $0x0;
	s5 =	sld [smem:$0x3FB3]  }
0x2b: {  	s6 =	sld [smem:$0x3FB4]  }
0x2c: {  	s7 =	sld [smem:$0x3FB5]  }
0x2d: {  	s3 =	simm.s32 $0x108;
	s8 =	sld [smem:$0x3FB6]  }
0x2e: {  	s3 =	simm.s32 @!p0 $0x1082;
	s9 =	sld [smem:$0x3FB7]  }
0x2f: {  	lr =	sadd.s32 s0, s3;
	s0 =	sld [smem:$0x3FAE]  }
0x30: {  	s3 =	sld [smem:$0x3FB1]  }
0x31: {  	[smem:$0x3FBA] =	sst s10  }
0x32: {  	s10 =	sld [smem:$0x3FB8];
	_ =	sdelay $0x3  }
0x33: {  	p0 =	seq.s32 s10, $0x1;
	s10 =	sld [smem:$0x3FBA];
	_ =	sdelay $0x3  }
0x34: {  	[smem:$0x3FBA] =	sst s10  }
0x35: {  	s10 =	sld [smem:$0x3FB9];
	_ =	sdelay $0x3  }
0x36: {  	p1 =	seq.s32 s10, $0x1;
	s10 =	sld [smem:$0x3FBA];
	_ =	sdelay $0x3  }
0x37: {  	[smem:$0x3FBA] =	sst s10  }
0x38: {  	s10 =	sld [smem:$0x3FBB]  }
0x39: {  	_ = 	snop;
	(pc) =	sbr.ind lr, $3  }
0x3a: {  	_ = 	snop  }
0x3b: {  	_ = 	snop  }
0x3c: {  	p2 =	seq.s32 s10, $0x1;
	s10 =	sld [smem:$0x3FBA]  }
0x3d: {  	_ =	shalt  }
0x3e: {  	_ =	shalt  }
0x3f: {  	_ =	shalt  }
0x40: {  	_ =	shalt  }
0x41: {  	_ =	shalt  }
0x42: {  	_ =	shalt  }
0x43: {  	_ =	shalt  }
0x44: {  	_ =	shalt  }
0x45: {  	_ =	shalt  }
0x46: {  	_ =	shalt  }
0x47: {  	_ =	shalt  }
0x48: {  	_ =	shalt  }
0x49: {  	_ =	shalt  }
0x4a: {  	_ =	shalt  }
0x4b: {  	_ =	shalt  }
0x4c: {  	_ =	shalt  }
0x4d: {  	_ =	shalt  }
0x4e: {  	_ =	shalt  }
0x4f: {  	_ =	shalt  }
0x50: {  	_ =	shalt  }
0x51: {  	_ =	shalt  }
0x52: {  	_ =	shalt  }
0x53: {  	_ =	shalt  }
0x54: {  	_ =	shalt  }
0x55: {  	_ =	shalt  }
0x56: {  	_ =	shalt  }
0x57: {  	_ =	shalt  }
0x58: {  	_ =	shalt  }
0x59: {  	_ =	shalt  }
0x5a: {  	_ =	shalt  }
0x5b: {  	_ =	shalt  }
0x5c: {  	_ =	shalt  }
0x5d: {  	_ =	shalt  }
0x5e: {  	_ =	shalt  }
0x5f: {  	_ =	shalt  }
0x60: {  	_ =	shalt  }
0x61: {  	_ =	shalt  }
0x62: {  	_ =	shalt  }
0x63: {  	_ =	shalt  }
0x64: {  	_ =	shalt  }
0x65: {  	_ =	shalt  }
0x66: {  	_ =	shalt  }
0x67: {  	_ =	shalt  }
0x68: {  	_ =	shalt  }
0x69: {  	_ =	shalt  }
0x6a: {  	_ =	shalt  }
0x6b: {  	_ =	shalt  }
0x6c: {  	_ =	shalt  }
0x6d: {  	_ =	shalt  }
0x6e: {  	_ =	shalt  }
0x6f: {  	_ =	shalt  }
0x70: {  	_ =	shalt  }
0x71: {  	_ =	shalt  }
0x72: {  	_ =	shalt  }
0x73: {  	_ =	shalt  }
0x74: {  	_ =	shalt  }
0x75: {  	_ =	shalt  }
0x76: {  	_ =	shalt  }
0x77: {  	_ =	shalt  }
0x78: {  	_ =	shalt  }
0x79: {  	_ =	shalt  }
0x7a: {  	_ =	shalt  }
0x7b: {  	_ =	shalt  }
0x7c: {  	_ =	shalt  }
0x7d: {  	_ =	shalt  }
0x7e: {  	_ =	shalt  }
0x7f: {  	_ =	shalt  }
0x80: {  	_ =	shalt  }
0x81: {  	_ =	shalt  }
0x82: {  	_ =	shalt  }
0x83: {  	_ =	shalt  }
0x84: {  	_ =	shalt  }
0x85: {  	_ =	shalt  }
0x86: {  	_ =	shalt  }
0x87: {  	_ =	shalt  }
.Lfunc_end0:
.L_simem_size_0:
called_computation_lowered:
.L_overlay_start_0:
0x88: {  	s2 =	sld [smem:$0x3FD9]  }
0x89: {  	s3 =	sld [smem:$0x3FFE];
	_ =	sdelay $0x1  }
0x8a: {  	s1 =	srdreg.scid  }
0x8b: {  	s0 =	sand.u32 $0x1, s1  }
0x8c: {  	s17 =	sshll.u32 s0, $0xA;
	s2 =	sadd.s32 s3, s2  }
0x8d: {  	s2 =	sadd.s32 s2, s17  }
0x8e: {  	[smem:$0x3FC6] =	sst s2  }
0x8f: {  	_ = 	snop  }
0x90: {  	s2 =	sld [smem:$0x3FC8]  }
0x91: {  	s18 =	sld [smem:$0x3FD0];
	(tm) =	ssettm $0x1  }
0x92: {  	s4 =	sld [smem:$0x3FFB];
	_ =	sdelay $0x3  }
0x93: {  	_ =	strace s4  }
0x94: {  	s4 =	sld [smem:$0x3FFC];
	_ =	sdelay $0x3  }
0x95: {  	_ =	strace s4  }
0x96: {  	s4 =	sld [smem:$0x3FFD];
	_ =	sdelay $0x3  }
0x97: {  	_ =	strace s4  }
0x98: {  	_ =	strace $0x8FFFFFFF  }
0x99: {  	s19 =	sld [smem:$0x3FDB];
	_ =	sdelay $0x1  }
0x9a: {  	s5 =	simm.s32 $_scs_section_size  }
0x9b: {  	s6 =	simm.s32 $_size__tile_overlayer_lowered;
	s7 =	simm.s32 $_tile_overlayer_lowered  }
0x9c: {  	s22 =	simm.s32 $0x1BFF;
	s21 =	sshll.u32 s7, $0x1;
	s4 =	sadd.s32 s5, s19  }
0x9d: {  	s8 =	simm.s32 $0x0;
	s20 =	sshll.u32 s6, $0x1;
	s6 =	sadd.s32 s21, s4  }
0x9e: {  	[timem:s8], [sflag:s22] =	dma.local [hbm:s6], s20  }
0x9f: {  	_ =	swait.ge [sflag:s22], s20  }
0xa0: {  	s5 =	ssub.s32 $0x0, s20;
	[sflag:s22] =	ssyncset.done $0x0  }
0xa1: {  	[sflag:s22] =	ssyncadd.s32 s5;
	_ =	sdelay $0x1  }
0xa2: {  	s23 =	simm.s32 $0x1B8B  }
0xa3: {  	_ =	swait.ge [sflag:s23], $0x1  }
0xa4: {  	[sflag:s23] =	ssyncset.done $0x0  }
0xa5: {  	s25 =	simm.s32 $0x1B8E;
	s24 =	sld [smem:$0x3FFE];
	[sflag:s23] =	ssyncadd.s32 $0xFFFFFFFF  }
0xa6: {  	s26 =	simm.s32 $execute0_lowered;
	[smem:$0x3FD2] =	sst s25  }
0xa7: {  	s6 =	sshll.u32 s26, $0x1;
	_ =	strace $0x80000046;
	[dreg:$0x1] =	wrdreg $0xFFFFFFFF  }
0xa8: {  	s28 =	simm.s32 $_size_execute0_lowered;
	s4 =	sadd.s32 s4, s6;
	[dreg:$0x0] =	wrdreg $0x0  }
0xa9: {  	s6 =	sshll.u32 s28, $0x1;
	[dreg:$0x2] =	wrdreg s4  }
0xaa: {  	[dreg:$0x3] =	wrdreg s6  }
0xab: {  	[dreg:$0x4] =	wrdreg $0xC0  }
0xac: {  	_ =	task [dreg:s8], $0x5FFFF  }
0xad: {  	[dreg:$0x1] =	wrdreg $0xFFFFFFFF  }
0xae: {  	[dreg:$0x0] =	wrdreg $0x60  }
0xaf: {  	[dreg:$0x2] =	wrdreg s24  }
0xb0: {  	[dreg:$0x3] =	wrdreg s2  }
0xb1: {  	[dreg:$0x4] =	wrdreg s18  }
0xb2: {  	[dreg:$0x5] =	wrdreg $0x0  }
0xb3: {  	[dreg:$0x6] =	wrdreg $0x9  }
0xb4: {  	_ =	task.clear_ibuf [dreg:s8], $0x7FFFF;
	_ =	strace $0x90000046  }
0xb5: {  	s29 =	simm.s32 $0x9;
	_ =	strace $0x80000048  }
0xb6: {  	_ =	swait.ge [sflag:s29], $0x1  }
0xb7: {  	[sflag:s29] =	ssyncadd.s32 $0xFFFFFFFF  }
0xb8: {  	_ =	strace $0x90000048  }
0xb9: {  	_ =	sfence  }
0xba: {  	s30 =	sld [smem:$0x0];
	_ =	sdelay $0x2  }
0xbb: {  	s31 =	sshll.u32 s1, $0xD;
	s1 =	sshrl.u32 s1, $0x2  }
0xbc: {  	s3 =	sand.u32 $0x4000, s31;
	s1 =	sadd.s32 s1, s30  }
0xbd: {  	s0 =	sor.u32 s3, s0;
	s1 =	sshll.u32 s1, $0x11  }
0xbe: {  	s0 =	sor.u32 s1, s0  }
0xbf: {  	s0 =	sadd.s32 $0x8F2B, s0  }
0xc0: {  	[sflag:s0] =	ssyncadd.remote.s32 $0x1  }
0xc1: {  	_ =	sfence.sel $0xFFFF  }
0xc2: {  	[dreg:$0x0] =	wrdreg $0xFFFFFFFF;
	(pc) =	sbr.abs _section_cstart, $3  }
0xc3: {  	[dreg:$0x1] =	wrdreg $0xFFFFFFFF  }
0xc4: {  	_ =	task.clear_ibuf [dreg:s8], $0x2FFFF;
	_ =	strace $0x9FFFFFFF  }
0xc5: {  	(tm) =	ssettm $0x7FFFFFFF  }
tec
execute0_lowered:
.L_overlay_start_1:
0x0: {  	(tag) =	ssettag $0x1  }
0x1: {  	s4 =	rddreg [dreg:$0x0]  }
0x2: {  	s1 =	rddreg [dreg:$0x1]  }
0x3: {  	s10 =	rddreg [dreg:$0x2]  }
0x4: {  	s2 =	rddreg [dreg:$0x3]  }
0x5: {  	s3 =	simm.s32 $0x0;
	s5 =	srdreg.scid;
	s11 =	stileid.u32  }
0x6: {  	s14 =	simm.s32 $0x80;
	s15 =	simm.s32 $0x4100;
	s16 =	simm.s32 $0x180  }
0x7: {  	s17 =	simm.s32 $0x8100;
	s18 =	simm.s32 $0x200;
	s19 =	simm.s32 $0xC100  }
0x8: {  	s20 =	simm.s32 $0x280;
	s21 =	simm.s32 $0x10100;
	s22 =	simm.s32 $0x1  }
0x9: {  	s23 =	simm.s32 $0x2;
	s24 =	simm.s32 $0x3;
	s25 =	simm.s32 $0x4  }
0xa: {  	s26 =	simm.s32 $0x5;
	s28 =	simm.s32 $0x0;
	[smem:$0x7FF] =	sst s3  }
0xb: {  	s12 =	sand.u32 $0x1, s5;
	s31 =	sshll.u32 s11, $0x1;
	s13 =	sshll.u32 s11, $0x13  }
0xc: {  	p0 =	sne.s32 s11, $0x0;
	_ =	strace $0x80000047;
	s5 =	sor.u32 s12, s31  }
0xd: {  	s6 =	ssub.s32 $0x2, s12;
	s12 =	sshll.u32 s12, $0x12;
	s11 =	sshrl.u32 @!p0 s2, $0x3  }
0xe: {  	s7 =	sshll.u32 s5, $0xB;
	s8 =	sshrl.u32 s6, $0x1;
	s5 =	sshll.u32 s5, $0x12  }
0xf: {  	s7 =	sadd.s32 s7, s4;
	s9 =	ssub.s32 s6, s8;
	s4 =	sadd.s32 s10, s5  }
0x10: {  	s10 =	sadd.s32 s13, s10;
	s13 =	simm.s32 $0x6;
	s5 =	sadd.s32 $0x400, s7  }
0x11: {  	s6 =	sadd.s32 $0x800, s4;
	s7 =	sadd.s32 $0x1000, s4;
	s8 =	sadd.s32 $0x1800, s4  }
0x12: {  	s9 =	smax.u32 s9, $0x1;
	s10 =	sadd.s32 s12, s10;
	s12 =	simm.s32 $0x100  }
.LBB2_1:
0x13: {  	s29 =	simm.s32 @!p0 $0x1C06  }
0x14: {  	[spmem:s11], [sflag:s29] =	dma.local @!p0 [hbm:s1], $0x200  }
0x15: {  	s29 =	simm.s32 @!p0 $0x6  }
0x16: {  	_ =	swait.ge @!p0 [sflag:s29], $0x200  }
0x17: {  	[sflag:s29] =	ssyncset.done @!p0 $0x0  }
0x18: {  	[sflag:s29] =	ssyncadd.s32 @!p0 $0xFFFFFE00  }
0x19: {  	[tilespmem:s12], [sflag:$0x6] =	stream.linear.gather [hbm4b:s5+s3], $0x4000, $0x38;
	[tilespmem:$0x14100] =	vst v63  }
0x1a: {  	_ =	swait.ge [sflag:s13], $0x4000  }
0x1b: {  	[sflag:s13] =	ssyncset.done $0x0  }
0x1c: {  	[sflag:s13] =	ssyncadd.s32 $0xFFFFC000  }
0x1d: {  	[bflag:$0x0] =	sbarrier.arrive $0xFFFF  }
0x1e: {  	[tilespmem:s15], [sflag:$0x1] =	stream.indirect.gather [spmem:s2], $0x80, s12, s14, $0xb8;
	[tilespmem:$0x14100] =	vst v63  }
0x1f: {  	_ = 	snop  }
0x20: {  	[tilespmem:s17], [sflag:$0x1] =	stream.indirect.gather [spmem:s2], $0x80, s16, s14, $0xb8;
	[tilespmem:$0x14100] =	vst v63  }
0x21: {  	_ = 	snop  }
0x22: {  	[tilespmem:s19], [sflag:$0x1] =	stream.indirect.gather [spmem:s2], $0x80, s18, s14, $0xb8;
	[tilespmem:$0x14100] =	vst v63  }
0x23: {  	_ = 	snop  }
0x24: {  	[tilespmem:s21], [sflag:$0x1] =	stream.indirect.gather [spmem:s2], $0x80, s20, s14, $0xb8;
	[tilespmem:$0x14100] =	vst v63  }
0x25: {  	_ =	swait.ge [sflag:s22], $0x4000  }
0x26: {  	[sflag:s22] =	ssyncset.done $0x0  }
0x27: {  	[sflag:s22] =	ssyncadd.s32 $0xFFFFC000  }
0x28: {  	[hbm4b:s4+s3] =	stream.linear.scatter [tilespmem:s15], [sflag:$0x2], $0x4000, $0x38;
	[tilespmem:$0x14100] =	vst v63  }
0x29: {  	_ =	swait.ge [sflag:s22], $0x4000  }
0x2a: {  	[sflag:s22] =	ssyncset.done $0x0  }
0x2b: {  	[sflag:s22] =	ssyncadd.s32 $0xFFFFC000  }
0x2c: {  	[hbm4b:s6+s3] =	stream.linear.scatter [tilespmem:s17], [sflag:$0x3], $0x4000, $0x38;
	[tilespmem:$0x14100] =	vst v63  }
0x2d: {  	_ =	swait.ge [sflag:s22], $0x4000  }
0x2e: {  	[sflag:s22] =	ssyncset.done $0x0  }
0x2f: {  	[sflag:s22] =	ssyncadd.s32 $0xFFFFC000  }
0x30: {  	[hbm4b:s7+s3] =	stream.linear.scatter [tilespmem:s19], [sflag:$0x4], $0x4000, $0x38;
	[tilespmem:$0x14100] =	vst v63  }
0x31: {  	_ =	swait.ge [sflag:s22], $0x4000  }
0x32: {  	[sflag:s22] =	ssyncset.done $0x0  }
0x33: {  	[sflag:s22] =	ssyncadd.s32 $0xFFFFC000  }
0x34: {  	[hbm4b:s8+s3] =	stream.linear.scatter [tilespmem:s21], [sflag:$0x5], $0x4000, $0x38;
	[tilespmem:$0x14100] =	vst v63  }
0x35: {  	_ =	swait.ge [sflag:s23], $0x4000  }
0x36: {  	[sflag:s23] =	ssyncset.done $0x0  }
0x37: {  	s29 =	simm.s32 $0x300;
	[sflag:s23] =	ssyncadd.s32 $0xFFFFC000  }
0x38: {  	[tilespmem:s15], [sflag:$0x1] =	stream.indirect.gather [spmem:s2], $0x80, s29, s14, $0xb8;
	[tilespmem:$0x14100] =	vst v63  }
0x39: {  	_ =	swait.ge [sflag:s24], $0x4000  }
0x3a: {  	[sflag:s24] =	ssyncset.done $0x0  }
0x3b: {  	s29 =	simm.s32 $0x380;
	[sflag:s24] =	ssyncadd.s32 $0xFFFFC000  }
0x3c: {  	[tilespmem:s17], [sflag:$0x1] =	stream.indirect.gather [spmem:s2], $0x80, s29, s14, $0xb8;
	[tilespmem:$0x14100] =	vst v63  }
0x3d: {  	_ =	swait.ge [sflag:s25], $0x4000  }
0x3e: {  	[sflag:s25] =	ssyncset.done $0x0  }
0x3f: {  	s29 =	simm.s32 $0x400;
	[sflag:s25] =	ssyncadd.s32 $0xFFFFC000  }
0x40: {  	[tilespmem:s19], [sflag:$0x1] =	stream.indirect.gather [spmem:s2], $0x80, s29, s14, $0xb8;
	[tilespmem:$0x14100] =	vst v63  }
0x41: {  	_ =	swait.ge [sflag:s26], $0x4000  }
0x42: {  	[sflag:s26] =	ssyncset.done $0x0  }
0x43: {  	s29 =	simm.s32 $0x480;
	[sflag:s26] =	ssyncadd.s32 $0xFFFFC000  }
0x44: {  	[tilespmem:s21], [sflag:$0x1] =	stream.indirect.gather [spmem:s2], $0x80, s29, s14, $0xb8;
	[tilespmem:$0x14100] =	vst v63  }
0x45: {  	_ =	swait.ge [sflag:s22], $0x4000  }
0x46: {  	s30 =	sadd.s32 $0x0, s10;
	[sflag:s22] =	ssyncset.done $0x0  }
0x47: {  	s29 =	sadd.s32 $0x2000, s30;
	[sflag:s22] =	ssyncadd.s32 $0xFFFFC000  }
0x48: {  	[hbm4b:s29+s3] =	stream.linear.scatter [tilespmem:s15], [sflag:$0x2], $0x4000, $0x38;
	[tilespmem:$0x14100] =	vst v63  }
0x49: {  	_ =	swait.ge [sflag:s22], $0x4000  }
0x4a: {  	[sflag:s22] =	ssyncset.done $0x0  }
0x4b: {  	s29 =	sadd.s32 $0x2800, s30;
	[sflag:s22] =	ssyncadd.s32 $0xFFFFC000  }
0x4c: {  	[hbm4b:s29+s3] =	stream.linear.scatter [tilespmem:s17], [sflag:$0x3], $0x4000, $0x38;
	[tilespmem:$0x14100] =	vst v63  }
0x4d: {  	_ =	swait.ge [sflag:s22], $0x4000  }
0x4e: {  	[sflag:s22] =	ssyncset.done $0x0  }
0x4f: {  	s29 =	sadd.s32 $0x3000, s30;
	[sflag:s22] =	ssyncadd.s32 $0xFFFFC000  }
0x50: {  	[hbm4b:s29+s3] =	stream.linear.scatter [tilespmem:s19], [sflag:$0x4], $0x4000, $0x38;
	[tilespmem:$0x14100] =	vst v63  }
0x51: {  	_ =	swait.ge [sflag:s22], $0x4000  }
0x52: {  	s31 =	sadd.s32 $0x3800, s30;
	[sflag:s22] =	ssyncset.done $0x0  }
0x53: {  	s30 =	simm.s32 $0x500;
	s29 =	simm.s32 $0x2000;
	[sflag:s22] =	ssyncadd.s32 $0xFFFFC000  }
.LBB2_2:
0x54: {  	[hbm4b:s31+s3] =	stream.linear.scatter [tilespmem:s21], [sflag:$0x5], $0x4000, $0x38;
	[tilespmem:$0x14100] =	vst v63  }
0x55: {  	s31 =	smov.u32 s29  }
0x56: {  	p1 =	sne.s32 s29, $0x3C000;
	s29 =	sadd.s32 $0x2000, s29;
	_ =	swait.ge [sflag:s23], $0x4000  }
0x57: {  	[sflag:s23] =	ssyncset.done $0x0  }
0x58: {  	[sflag:s23] =	ssyncadd.s32 $0xFFFFC000  }
0x59: {  	[tilespmem:s15], [sflag:$0x1] =	stream.indirect.gather [spmem:s2], $0x80, s30, s14, $0xb8;
	[tilespmem:$0x14100] =	vst v63  }
0x5a: {  	_ =	swait.ge [sflag:s24], $0x4000  }
0x5b: {  	[sflag:s24] =	ssyncset.done $0x0  }
0x5c: {  	s0 =	sadd.s32 $0x80, s30;
	[sflag:s24] =	ssyncadd.s32 $0xFFFFC000  }
0x5d: {  	[tilespmem:s17], [sflag:$0x1] =	stream.indirect.gather [spmem:s2], $0x80, s0, s14, $0xb8;
	[tilespmem:$0x14100] =	vst v63  }
0x5e: {  	_ =	swait.ge [sflag:s25], $0x4000  }
0x5f: {  	[sflag:s25] =	ssyncset.done $0x0  }
0x60: {  	s0 =	sadd.s32 $0x100, s30;
	[sflag:s25] =	ssyncadd.s32 $0xFFFFC000  }
0x61: {  	[tilespmem:s19], [sflag:$0x1] =	stream.indirect.gather [spmem:s2], $0x80, s0, s14, $0xb8;
	[tilespmem:$0x14100] =	vst v63  }
0x62: {  	_ =	swait.ge [sflag:s26], $0x4000  }
0x63: {  	[sflag:s26] =	ssyncset.done $0x0  }
0x64: {  	s0 =	sadd.s32 $0x180, s30;
	[sflag:s26] =	ssyncadd.s32 $0xFFFFC000  }
0x65: {  	[tilespmem:s21], [sflag:$0x1] =	stream.indirect.gather [spmem:s2], $0x80, s0, s14, $0xb8;
	[tilespmem:$0x14100] =	vst v63  }
0x66: {  	_ =	swait.ge [sflag:s22], $0x4000  }
0x67: {  	s0 =	sadd.s32 s31, s10;
	[sflag:s22] =	ssyncset.done $0x0  }
0x68: {  	s31 =	sadd.s32 $0x2000, s0;
	[sflag:s22] =	ssyncadd.s32 $0xFFFFC000  }
0x69: {  	[hbm4b:s31+s3] =	stream.linear.scatter [tilespmem:s15], [sflag:$0x2], $0x4000, $0x38;
	[tilespmem:$0x14100] =	vst v63  }
0x6a: {  	_ =	swait.ge [sflag:s22], $0x4000  }
0x6b: {  	[sflag:s22] =	ssyncset.done $0x0  }
0x6c: {  	s31 =	sadd.s32 $0x2800, s0;
	[sflag:s22] =	ssyncadd.s32 $0xFFFFC000  }
0x6d: {  	[hbm4b:s31+s3] =	stream.linear.scatter [tilespmem:s17], [sflag:$0x3], $0x4000, $0x38;
	[tilespmem:$0x14100] =	vst v63  }
0x6e: {  	_ =	swait.ge [sflag:s22], $0x4000  }
0x6f: {  	[sflag:s22] =	ssyncset.done $0x0  }
.Ltmp0:
0x70: {  	s31 =	sadd.s32 $0x3000, s0;
	[sflag:s22] =	ssyncadd.s32 $0xFFFFC000;
	(pc) =	sbr.rel @p1 .LBB2_2-.Ltmp0, $4  }
0x71: {  	[hbm4b:s31+s3] =	stream.linear.scatter [tilespmem:s19], [sflag:$0x4], $0x4000, $0x38;
	[tilespmem:$0x14100] =	vst v63  }
0x72: {  	_ =	swait.ge [sflag:s22], $0x4000  }
0x73: {  	[sflag:s22] =	ssyncset.done $0x0  }
0x74: {  	s30 =	sadd.s32 $0x200, s30;
	s31 =	sadd.s32 $0x3800, s0;
	[sflag:s22] =	ssyncadd.s32 $0xFFFFC000  }
0x75: {  	[hbm4b:s31+s3] =	stream.linear.scatter [tilespmem:s21], [sflag:$0x5], $0x4000, $0x38;
	[tilespmem:$0x14100] =	vst v63  }
0x76: {  	_ =	swait.ge [sflag:s23], $0x4000  }
0x77: {  	[sflag:s23] =	ssyncset.done $0x0  }
0x78: {  	[sflag:s23] =	ssyncadd.s32 $0xFFFFC000  }
0x79: {  	_ =	swait.ge [sflag:s24], $0x4000  }
0x7a: {  	[sflag:s24] =	ssyncset.done $0x0  }
0x7b: {  	s28 =	sadd.s32 $0x1, s28;
	[sflag:s24] =	ssyncadd.s32 $0xFFFFC000  }
0x7c: {  	p1 =	sne.s32 s28, s9;
	_ =	swait.ge [sflag:s25], $0x4000  }
.Ltmp1:
0x7d: {  	[sflag:s25] =	ssyncset.done $0x0;
	(pc) =	sbr.rel @p1 .LBB2_1-.Ltmp1, $4  }
0x7e: {  	[sflag:s25] =	ssyncadd.s32 $0xFFFFC000  }
0x7f: {  	_ =	swait.ge [sflag:s26], $0x4000  }
0x80: {  	[sflag:s26] =	ssyncset.done $0x0  }
0x81: {  	[sflag:s26] =	ssyncadd.s32 $0xFFFFC000  }
0x82: {  	_ =	sfence.sel $0x180000  }
0x83: {  	[bflag:$0x0] =	sbarrier.arrive $0xFFFF  }
0x84: {  	_ =	strace $0x90000047  }
0x85: {  	[bflag:$0x2] =	sbarrier.arrive $0xFFFF  }
0x86: {  	s0 =	rddreg [dreg:$0x4]  }
0x87: {  	s0 =	sadd.s32 @!p0 $0x100000, s0  }
0x88: {  	[sflag:s0] =	ssyncadd.tile.s32 @!p0 $0x1;
	_ =	shalt  }
.Lfunc_end2:
_tile_overlayer_lowered:
.L_overlay_start_2:
0x89: {  	(tag) =	ssettag $0x2  }
0x8a: {  	s0 =	rddreg [dreg:$0x0];
	s2 =	stileid.u32  }
0x8b: {  	s1 =	rddreg [dreg:$0x1];
	p0 =	sne.s32 s2, $0x0  }
0x8c: {  	s3 =	rddreg [dreg:$0x2];
	[bflag:$0x3] =	sbarrier.arrive $0xFFFF;
	s2 =	simm.s32 @!p0 $0x1C06  }
0x8d: {  	[timem:s3], [sflag:s2] =	dma.local @!p0 [hbm:s0], s1  }
0x8e: {  	s0 =	simm.s32 @!p0 $0x6  }
0x8f: {  	_ =	swait.ge @!p0 [sflag:s0], s1  }
0x90: {  	s1 =	ssub.s32 @!p0 $0x0, s1;
	[sflag:s0] =	ssyncset.done @!p0 $0x0  }
0x91: {  	[sflag:s0] =	ssyncadd.s32 @!p0 s1  }
0x92: {  	[bflag:$0x3] =	sbarrier.arrive $0xFFFF  }
0x93: {  	_ =	shalt  }

</sc_bundles>
